<compile_context>
chip_gen: v7x
topology: tpu7x:2x2x1
jax: 0.10.2.dev20260603
libtpu: 0.0.44.dev20260713+nightly
codegen_flags: <defaults>
</compile_context>

<pallas_src>
import functools

import jax
import jax.numpy as jnp
from jax import lax
from jax.experimental import pallas as pl
from jax.experimental.pallas import tpu as pltpu
from jax.experimental.pallas import tpu_sc as plsc

H = 8
D = 16
C = 128
NP_ = 50000
NA_ = 50000

WN = 128
EB = 256
KMAX = 7
ND_PAD = 100352
EP_PAD = 602112
NWIN = ND_PAD // WN
NEB = EP_PAD // EB


def _proj_body(x_ref, wkqv_ref, bkqv_ref, wbk_ref, bk_ref, wbv_ref, bv_ref,
               q_ref, k_ref, v_ref):
    kqv = jnp.dot(x_ref[...], wkqv_ref[...],
                  preferred_element_type=jnp.float32) + bkqv_ref[...]
    q_ref[...] = kqv[:, C:2 * C]
    k_ref[...] = jnp.dot(kqv[:, :C], wbk_ref[...],
                         preferred_element_type=jnp.float32) + bk_ref[...]
    v_ref[...] = jnp.dot(kqv[:, 2 * C:], wbv_ref[...],
                         preferred_element_type=jnp.float32) + bv_ref[...]


def _proj(x, wkqv, bkqv, wbk, bk, wbv, bv):
    n = x.shape[0]
    blk = 2000
    grid = (n // blk,)
    full = lambda i: (0, 0)
    return pl.pallas_call(
        _proj_body,
        grid=grid,
        in_specs=[
            pl.BlockSpec((blk, C), lambda i: (i, 0)),
            pl.BlockSpec((C, 3 * C), full),
            pl.BlockSpec((1, 3 * C), full),
            pl.BlockSpec((C, C), full),
            pl.BlockSpec((1, C), full),
            pl.BlockSpec((C, C), full),
            pl.BlockSpec((1, C), full),
        ],
        out_specs=[
            pl.BlockSpec((blk, C), lambda i: (i, 0)),
            pl.BlockSpec((blk, C), lambda i: (i, 0)),
            pl.BlockSpec((blk, C), lambda i: (i, 0)),
        ],
        out_shape=[jax.ShapeDtypeStruct((n, C), jnp.float32)] * 3,
    )(x, wkqv, bkqv, wbk, bk, wbv, bv)


def _sc_gather2(k_tab, v_tab, idx):
    info = plsc.get_sparse_core_info()
    nw = info.num_cores * info.num_subcores
    ep = idx.shape[0]
    per_w = ep // nw
    ch = 128
    nch = per_w // ch
    mesh = plsc.VectorSubcoreMesh(core_axis_name="c", subcore_axis_name="s")

    @functools.partial(
        pl.kernel, mesh=mesh,
        out_type=[jax.ShapeDtypeStruct((ep, C), jnp.float32),
                  jax.ShapeDtypeStruct((ep, C), jnp.float32)],
        scratch_types=[
            pltpu.VMEM((ch,), jnp.int32),
            pltpu.VMEM((ch, C), jnp.float32),
            pltpu.VMEM((ch, C), jnp.float32),
            pltpu.SemaphoreType.DMA,
            pltpu.SemaphoreType.DMA,
        ],
    )
    def kern(k_hbm, v_hbm, idx_hbm, ko_hbm, vo_hbm, idx_v, krows, vrows,
             sk, sv):
        wid = lax.axis_index("s") * info.num_cores + lax.axis_index("c")
        base = wid * per_w

        def body(j, carry):
            off = base + j * ch
            pltpu.sync_copy(idx_hbm.at[pl.ds(off, ch)], idx_v)
            cpk = pltpu.async_copy(k_hbm.at[idx_v], krows, sk)
            cpv = pltpu.async_copy(v_hbm.at[idx_v], vrows, sv)
            cpk.wait()
            cpv.wait()
            pltpu.sync_copy(krows, ko_hbm.at[pl.ds(off, ch)])
            pltpu.sync_copy(vrows, vo_hbm.at[pl.ds(off, ch)])
            return carry

        lax.fori_loop(0, nch, body, 0)

    return kern(k_tab, v_tab, idx)


def _edge_body(cidx_ref, dst_ref, flag_ref, k_ref, v_ref, q_ref,
               prpa_ref, prap_ref, den_ref, agg_ref):
    b = pl.program_id(0)
    kk = pl.program_id(1)

    dstl = dst_ref[0, 0, :] - b * WN
    oh = (dstl[:, None] == lax.broadcasted_iota(jnp.int32, (EB, WN), 1)
          ).astype(jnp.float32)
    sel = (lax.broadcasted_iota(jnp.int32, (C, H), 0) // D ==
           lax.broadcasted_iota(jnp.int32, (C, H), 1)).astype(jnp.float32)

    kv = k_ref[...]
    vv = v_ref[...]
    qi = jnp.dot(oh, q_ref[...], preferred_element_type=jnp.float32)
    alpha = jnp.dot(qi * kv, sel, preferred_element_type=jnp.float32)
    flag = flag_ref[0, 0, :][:, None]
    attr = flag * prpa_ref[...] + (1.0 - flag) * prap_ref[...]
    ex = jnp.exp(alpha * attr * 0.25)
    msg = vv * jnp.dot(ex, sel.T, preferred_element_type=jnp.float32)

    @pl.when(kk == 0)
    def _():
        den_ref[...] = jnp.zeros_like(den_ref)
        agg_ref[...] = jnp.zeros_like(agg_ref)

    cdims = (((0,), (0,)), ((), ()))
    den_ref[...] += lax.dot_general(oh, ex, cdims,
                                    preferred_element_type=jnp.float32)
    agg_ref[...] += lax.dot_general(oh, msg, cdims,
                                    preferred_element_type=jnp.float32)


def _edge_phase(cidx, dst3, flag3, krows, vrows, qtab, prpa, prap):
    grid_spec = pltpu.PrefetchScalarGridSpec(
        num_scalar_prefetch=1,
        grid=(NWIN, KMAX),
        in_specs=[
            pl.BlockSpec((1, 1, EB), lambda b, k, c: (c[b, k], 0, 0)),
            pl.BlockSpec((1, 1, EB), lambda b, k, c: (c[b, k], 0, 0)),
            pl.BlockSpec((EB, C), lambda b, k, c: (c[b, k], 0)),
            pl.BlockSpec((EB, C), lambda b, k, c: (c[b, k], 0)),
            pl.BlockSpec((WN, C), lambda b, k, c: (b, 0)),
            pl.BlockSpec((1, H), lambda b, k, c: (0, 0)),
            pl.BlockSpec((1, H), lambda b, k, c: (0, 0)),
        ],
        out_specs=[
            pl.BlockSpec((WN, H), lambda b, k, c: (b, 0)),
            pl.BlockSpec((WN, C), lambda b, k, c: (b, 0)),
        ],
    )
    return pl.pallas_call(
        _edge_body,
        grid_spec=grid_spec,
        out_shape=[jax.ShapeDtypeStruct((ND_PAD, H), jnp.float32),
                   jax.ShapeDtypeStruct((ND_PAD, C), jnp.float32)],
    )(cidx, dst3, flag3, krows, vrows, qtab, prpa, prap)


def _finish_body(agg_ref, den_ref, x_ref, w_ref, b_ref, lnw_ref, lnb_ref,
                 sp_ref, o_ref):
    sel = (lax.broadcasted_iota(jnp.int32, (H, C), 1) // D ==
           lax.broadcasted_iota(jnp.int32, (H, C), 0)).astype(jnp.float32)
    den = jnp.dot(den_ref[...], sel,
                  preferred_element_type=jnp.float32) + 1e-16
    h = jnp.dot(agg_ref[...] / den, w_ref[...],
                preferred_element_type=jnp.float32) + b_ref[...]
    sp = sp_ref[0, 0]
    o = sp * h + (1.0 - sp) * x_ref[...]
    mu = jnp.mean(o, axis=1, keepdims=True)
    var = jnp.mean((o - mu) ** 2, axis=1, keepdims=True)
    o = (o - mu) / jnp.sqrt(var + 1e-5) * lnw_ref[...] + lnb_ref[...]
    o_ref[...] = o * 0.5 * (1.0 + lax.erf(o * 0.7071067811865475))


def _finish(agg, den, x, w, b, lnw, lnb, sp):
    n = x.shape[0]
    blk = 2000
    full = lambda i: (0, 0)
    return pl.pallas_call(
        _finish_body,
        grid=(n // blk,),
        in_specs=[
            pl.BlockSpec((blk, C), lambda i: (i, 0)),
            pl.BlockSpec((blk, H), lambda i: (i, 0)),
            pl.BlockSpec((blk, C), lambda i: (i, 0)),
            pl.BlockSpec((C, C), full),
            pl.BlockSpec((1, C), full),
            pl.BlockSpec((1, C), full),
            pl.BlockSpec((1, C), full),
            pl.BlockSpec((1, 1), full),
        ],
        out_specs=pl.BlockSpec((blk, C), lambda i: (i, 0)),
        out_shape=jax.ShapeDtypeStruct((n, C), jnp.float32),
    )(agg, den, x, w, b, lnw, lnb, sp)


def _blockdiag(w):
    out = jnp.zeros((C, C), jnp.float32)
    for h in range(H):
        out = out.at[h * D:(h + 1) * D, h * D:(h + 1) * D].set(w[h])
    return out


def kernel(x_paper, x_author, edge_index_pa, edge_index_ap, W_kqv_paper,
           b_kqv_paper, W_kqv_author, b_kqv_author, W_out_paper, b_out_paper,
           W_out_author, b_out_author, W_krel, b_krel, W_vrel, b_vrel,
           ln_w_paper, ln_b_paper, ln_w_author, ln_b_author, skip_paper,
           skip_author, p_rel_pa, p_rel_ap):
    epa = edge_index_pa.shape[1]
    eap = edge_index_ap.shape[1]

    idx0 = jnp.arange(H) * 2
    wbk_p = _blockdiag(W_krel[idx0])
    wbk_a = _blockdiag(W_krel[idx0 + 1])
    wbv_p = _blockdiag(W_vrel[idx0])
    wbv_a = _blockdiag(W_vrel[idx0 + 1])
    bk_p = b_krel[idx0].reshape(1, C)
    bk_a = b_krel[idx0 + 1].reshape(1, C)
    bv_p = b_vrel[idx0].reshape(1, C)
    bv_a = b_vrel[idx0 + 1].reshape(1, C)

    q_p, k_p, v_p = _proj(x_paper, W_kqv_paper, b_kqv_paper.reshape(1, -1),
                          wbk_p, bk_p, wbv_p, bv_p)
    q_a, k_a, v_a = _proj(x_author, W_kqv_author, b_kqv_author.reshape(1, -1),
                          wbk_a, bk_a, wbv_a, bv_a)

    qtab = jnp.concatenate(
        [q_p, q_a, jnp.zeros((ND_PAD - NP_ - NA_, C), jnp.float32)], axis=0)
    ktab = jnp.concatenate([k_p, k_a], axis=0)
    vtab = jnp.concatenate([v_p, v_a], axis=0)

    src = jnp.concatenate([edge_index_pa[0],
                           edge_index_ap[0] + NP_]).astype(jnp.int32)
    dst = jnp.concatenate([edge_index_pa[1] + NP_,
                           edge_index_ap[1]]).astype(jnp.int32)
    perm = jnp.argsort(dst)
    npad = EP_PAD - epa - eap
    src_s = jnp.concatenate([src[perm], jnp.zeros((npad,), jnp.int32)])
    dst_s = jnp.concatenate([dst[perm],
                             jnp.full((npad,), ND_PAD - 1, jnp.int32)])
    flag_s = jnp.concatenate([(perm < epa).astype(jnp.float32),
                              jnp.zeros((npad,), jnp.float32)])

    starts = jnp.searchsorted(dst_s, jnp.arange(NWIN, dtype=jnp.int32) * WN)
    cidx = jnp.clip(starts[:, None] // EB + jnp.arange(KMAX)[None, :],
                    0, NEB - 1).astype(jnp.int32)

    krows, vrows = _sc_gather2(ktab, vtab, src_s)

    den, agg = _edge_phase(cidx, dst_s.reshape(NEB, 1, EB),
                           flag_s.reshape(NEB, 1, EB), krows, vrows, qtab,
                           p_rel_pa, p_rel_ap)

    sp = jax.nn.sigmoid(skip_paper).reshape(1, 1)
    sa = jax.nn.sigmoid(skip_author).reshape(1, 1)
    o_p = _finish(agg[:NP_], den[:NP_], x_paper, W_out_paper,
                  b_out_paper.reshape(1, -1), ln_w_paper.reshape(1, -1),
                  ln_b_paper.reshape(1, -1), sp)
    o_a = _finish(agg[NP_:NP_ + NA_], den[NP_:NP_ + NA_], x_author,
                  W_out_author, b_out_author.reshape(1, -1),
                  ln_w_author.reshape(1, -1), ln_b_author.reshape(1, -1), sa)
    return jnp.concatenate([o_p, o_a], axis=0)

# --- scband reference (transcript-rebuilt; emitter-appended) ---
"""Pipeline reference for scband-het-sagpooling-25151328485777 (READ-ONLY COPY).

The authoritative reference and input builder live on the scoring server;
editing this copy changes nothing except your own understanding.
"""

import jax, jax.numpy as jnp
import numpy as np

H = 8
D = 16
C = 128
NP_ = 50000
NA_ = 50000
EPA = 300000
EAP = 300000
NUM_ET = 2


def _ln(x, w, b):
    mu = jnp.mean(x, axis=-1, keepdims=True)
    var = jnp.mean((x - mu) ** 2, axis=-1, keepdims=True)
    return (x - mu) / jnp.sqrt(var + 1e-5) * w + b


def _hetero_lin(feat_cat, W, b):
    # feat_cat: [Nsrc, H, D]. HeteroLinear with type_vec[h, n] = h*NUM_ET + et(n).
    # Since the type is constant within each (head, edge-type src block), the
    # per-row gathered matmul is computed blockwise (identical math).
    fh = jnp.transpose(feat_cat, (1, 0, 2))  # [H, Nsrc, D]
    idx0 = jnp.arange(H) * NUM_ET + 0
    idx1 = jnp.arange(H) * NUM_ET + 1
    o0 = jnp.einsum('hnd,hdo->hno', fh[:, :NP_], W[idx0]) + b[idx0][:, None, :]
    o1 = jnp.einsum('hnd,hdo->hno', fh[:, NP_:], W[idx1]) + b[idx1][:, None, :]
    return jnp.transpose(jnp.concatenate([o0, o1], axis=1), (1, 0, 2))  # [Nsrc, H, D]


def setup_inputs(seed: int = 0):
    key = jax.random.key(seed)
    ks = jax.random.split(key, 12)
    inp = {}
    inp['x_paper'] = jax.random.normal(ks[0], (NP_, C), jnp.float32)
    inp['x_author'] = jax.random.normal(ks[1], (NA_, C), jnp.float32)
    inp['edge_index_pa'] = jax.random.randint(ks[2], (2, EPA), 0, NP_)
    inp['edge_index_ap'] = jax.random.randint(ks[3], (2, EAP), 0, NA_)
    inp['W_kqv_paper'] = jax.random.normal(ks[4], (C, 3 * C), jnp.float32) * 0.05
    inp['b_kqv_paper'] = jnp.zeros((3 * C,), jnp.float32)
    inp['W_kqv_author'] = jax.random.normal(ks[5], (C, 3 * C), jnp.float32) * 0.05
    inp['b_kqv_author'] = jnp.zeros((3 * C,), jnp.float32)
    inp['W_out_paper'] = jax.random.normal(ks[6], (C, C), jnp.float32) * 0.05
    inp['b_out_paper'] = jnp.zeros((C,), jnp.float32)
    inp['W_out_author'] = jax.random.normal(ks[7], (C, C), jnp.float32) * 0.05
    inp['b_out_author'] = jnp.zeros((C,), jnp.float32)
    inp['W_krel'] = jax.random.normal(ks[8], (H * NUM_ET, D, D), jnp.float32) * 0.1
    inp['b_krel'] = jnp.zeros((H * NUM_ET, D), jnp.float32)
    inp['W_vrel'] = jax.random.normal(ks[9], (H * NUM_ET, D, D), jnp.float32) * 0.1
    inp['b_vrel'] = jnp.zeros((H * NUM_ET, D), jnp.float32)
    inp['ln_w_paper'] = jnp.ones((C,), jnp.float32)
    inp['ln_b_paper'] = jnp.zeros((C,), jnp.float32)
    inp['ln_w_author'] = jnp.ones((C,), jnp.float32)
    inp['ln_b_author'] = jnp.zeros((C,), jnp.float32)
    inp['skip_paper'] = jnp.ones((1,), jnp.float32)
    inp['skip_author'] = jnp.ones((1,), jnp.float32)
    inp['p_rel_pa'] = jnp.ones((1, H), jnp.float32)
    inp['p_rel_ap'] = jnp.ones((1, H), jnp.float32)
    return inp


def reference(x_paper, x_author, edge_index_pa, edge_index_ap,
              W_kqv_paper, b_kqv_paper, W_kqv_author, b_kqv_author,
              W_out_paper, b_out_paper, W_out_author, b_out_author,
              W_krel, b_krel, W_vrel, b_vrel,
              ln_w_paper, ln_b_paper, ln_w_author, ln_b_author,
              skip_paper, skip_author, p_rel_pa, p_rel_ap):
    # kqv projections per node type
    kqv_p = x_paper @ W_kqv_paper + b_kqv_paper
    k_p, q_p, v_p = [t.reshape(-1, H, D) for t in jnp.split(kqv_p, 3, axis=1)]
    kqv_a = x_author @ W_kqv_author + b_kqv_author
    k_a, q_a, v_a = [t.reshape(-1, H, D) for t in jnp.split(kqv_a, 3, axis=1)]
    # dst concat (dict order: paper, author) -> dst_offset = {paper: 0, author: NP_}
    q = jnp.concatenate([q_p, q_a], axis=0)
    # src repr per edge type (order: paper->author, author->paper); src_offset = {pa: 0, ap: NP_}
    ks_cat = jnp.concatenate([k_p, k_a], axis=0)
    vs_cat = jnp.concatenate([v_p, v_a], axis=0)
    k = _hetero_lin(ks_cat, W_krel, b_krel)
    v = _hetero_lin(vs_cat, W_vrel, b_vrel)
    # bipartite edge index with offsets
    src = jnp.concatenate([edge_index_pa[0], edge_index_ap[0] + NP_])
    dst = jnp.concatenate([edge_index_pa[1] + NP_, edge_index_ap[1]])
    edge_attr = jnp.concatenate([
        jnp.broadcast_to(p_rel_pa, (EPA, H)),
        jnp.broadcast_to(p_rel_ap, (EAP, H))], axis=0)
    # message + softmax over destination nodes
    q_i = q[dst]
    k_j = k[src]
    v_j = v[src]
    alpha = jnp.sum(q_i * k_j, axis=-1) * edge_attr / np.sqrt(D)  # [E, H]
    Nd = NP_ + NA_
    amax = jax.ops.segment_max(alpha, dst, num_segments=Nd)
    amax = jnp.where(jnp.isfinite(amax), amax, 0.0)
    ex = jnp.exp(alpha - amax[dst])
    den = jax.ops.segment_sum(ex, dst, num_segments=Nd)
    att = ex / (den[dst] + 1e-16)
    msg = (v_j * att[:, :, None]).reshape(-1, H * D)
    agg = jnp.zeros((Nd, H * D), jnp.float32).at[dst].add(msg)
    # output projection + gated skip + layernorm + gelu per node type
    out_p = agg[:NP_] @ W_out_paper + b_out_paper
    out_a = agg[NP_:] @ W_out_author + b_out_author
    sp = jax.nn.sigmoid(skip_paper)
    sa = jax.nn.sigmoid(skip_author)
    o_p = sp * out_p + (1.0 - sp) * x_paper
    o_a = sa * out_a + (1.0 - sa) * x_author
    o_p = jax.nn.gelu(_ln(o_p, ln_w_paper, ln_b_paper), approximate=False)
    o_a = jax.nn.gelu(_ln(o_a, ln_w_author, ln_b_author), approximate=False)
    return jnp.concatenate([o_p, o_a], axis=0)

if __name__ == "__main__":
    import jax
    _d = setup_inputs()
    print(jax.jit(kernel)(*tuple(_d.values())))

</pallas_src>

<mosaic_0001>
#map = affine_map<(d0, d1) -> (0, 0)>
#map1 = affine_map<(d0, d1) -> (0)>
module attributes {stable_mosaic.version = 14 : i64} {
  func.func @kern(%arg0: i32, %arg1: i32, %arg2: memref<100000x128xf32, #tpu.memory_space<hbm>>, %arg3: memref<100000x128xf32, #tpu.memory_space<hbm>>, %arg4: memref<602112xi32, #tpu.memory_space<hbm>>, %arg5: memref<602112x128xf32, #tpu.memory_space<hbm>>, %arg6: memref<602112x128xf32, #tpu.memory_space<hbm>>, %arg7: memref<128xi32, #tpu.memory_space<vmem>>, %arg8: memref<128x128xf32, #tpu.memory_space<vmem>>, %arg9: memref<128x128xf32, #tpu.memory_space<vmem>>, %arg10: memref<!tpu.dma_semaphore, #tpu.memory_space<semaphore_mem>>, %arg11: memref<!tpu.dma_semaphore, #tpu.memory_space<semaphore_mem>>) attributes {dimension_semantics = [#tpu.dimension_semantics<core_parallel>, #tpu.dimension_semantics<subcore_parallel>], iteration_bounds = array<i64: 2, 16>, scalar_prefetch = 0 : i64, scratch_operands = 5 : i64, tpu.core_type = #tpu.core_type<sc_vector_subcore>, window_params = [{transform_indices = #map}, {transform_indices = #map}, {transform_indices = #map1}, {transform_indices = #map}, {transform_indices = #map}]} {
    %mul3A = arith.constant 2 : i32
    %mul3A_0 = arith.muli %arg1, %mul3A : i32
    %add3A = arith.addi %mul3A_0, %arg0 : i32
    %mul3A_1 = arith.constant 18816 : i32
    %mul3A_2 = arith.muli %add3A, %mul3A_1 : i32
    %scan3A = arith.constant 0 : i32
    %scan3A_3 = arith.constant 0 : i32
    %scan3A_4 = arith.constant 147 : i32
    %scan3A_5 = arith.addi %scan3A_3, %scan3A_4 : i32
    %scan3A_6 = arith.constant 1 : i32
    scf.for %scan3A_8 = %scan3A_3 to %scan3A_5 step %scan3A_6  : i32 {
      %mul3A_9 = arith.constant 128 : i32
      %mul3A_10 = arith.muli %scan3A_8, %mul3A_9 : i32
      %add3A_11 = arith.addi %mul3A_2, %mul3A_10 : i32
      "tpu.region"() ({
        %run_scoped3A = tpu.sem_alloc : memref<!tpu.dma_semaphore, #tpu.memory_space<semaphore_mem>>
        %dma_start3A_22 = tpu.memref_slice %arg4[%add3A_11] : memref<602112xi32, #tpu.memory_space<hbm>> -> memref<128xi32, #tpu.memory_space<hbm>>
        %dma_start3A_23 = tpu.memref_slice %arg4[%add3A_11] : memref<602112xi32, #tpu.memory_space<hbm>> -> memref<128xi32, #tpu.memory_space<hbm>>
        tpu.enqueue_dma source(%dma_start3A_23 : memref<128xi32, #tpu.memory_space<hbm>>) target(%arg7 : memref<128xi32, #tpu.memory_space<vmem>>) target_semaphore(%run_scoped3A : memref<!tpu.dma_semaphore, #tpu.memory_space<semaphore_mem>>)
        %dma_wait3A_24 = tpu.memref_slice %arg4[%add3A_11] : memref<602112xi32, #tpu.memory_space<hbm>> -> memref<128xi32, #tpu.memory_space<hbm>>
        %dma_wait3A_25 = tpu.memref_slice %arg4[%add3A_11] : memref<602112xi32, #tpu.memory_space<hbm>> -> memref<128xi32, #tpu.memory_space<hbm>>
        tpu.wait_dma2 semaphore(%run_scoped3A : memref<!tpu.dma_semaphore, #tpu.memory_space<semaphore_mem>>) src(%dma_wait3A_25 : memref<128xi32, #tpu.memory_space<hbm>>) dst(%arg7 : memref<128xi32, #tpu.memory_space<vmem>>)
        tpu.yield
      }) : () -> ()
      %dma_start3A = arith.constant 0 : i32
      %dma_start3A_12 = arith.constant 0 : i32
      %dma_start3A_13 = tpu.memref_slice %arg2[%dma_start3A, %dma_start3A_12] : memref<100000x128xf32, #tpu.memory_space<hbm>> -> memref<100000x128xf32, #tpu.memory_space<hbm>>
      tpu.enqueue_indirect_dma source(%dma_start3A_13 : memref<100000x128xf32, #tpu.memory_space<hbm>>) target(%arg8 : memref<128x128xf32, #tpu.memory_space<vmem>>) offsets(%arg7 : memref<128xi32, #tpu.memory_space<vmem>>) semaphore(%arg10 : memref<!tpu.dma_semaphore, #tpu.memory_space<semaphore_mem>>)
      %dma_start3A_14 = arith.constant 0 : i32
      %dma_start3A_15 = arith.constant 0 : i32
      %dma_start3A_16 = tpu.memref_slice %arg3[%dma_start3A_14, %dma_start3A_15] : memref<100000x128xf32, #tpu.memory_space<hbm>> -> memref<100000x128xf32, #tpu.memory_space<hbm>>
      tpu.enqueue_indirect_dma source(%dma_start3A_16 : memref<100000x128xf32, #tpu.memory_space<hbm>>) target(%arg9 : memref<128x128xf32, #tpu.memory_space<vmem>>) offsets(%arg7 : memref<128xi32, #tpu.memory_space<vmem>>) semaphore(%arg11 : memref<!tpu.dma_semaphore, #tpu.memory_space<semaphore_mem>>)
      %dma_wait3A = arith.constant 0 : i32
      %dma_wait3A_17 = arith.constant 0 : i32
      %dma_wait3A_18 = tpu.memref_slice %arg2[%dma_wait3A, %dma_wait3A_17] : memref<100000x128xf32, #tpu.memory_space<hbm>> -> memref<100000x128xf32, #tpu.memory_space<hbm>>
      tpu.wait_indirect_dma semaphore(%arg10 : memref<!tpu.dma_semaphore, #tpu.memory_space<semaphore_mem>>) src(%dma_wait3A_18 : memref<100000x128xf32, #tpu.memory_space<hbm>>) dst(%arg8 : memref<128x128xf32, #tpu.memory_space<vmem>>)
      %dma_wait3A_19 = arith.constant 0 : i32
      %dma_wait3A_20 = arith.constant 0 : i32
      %dma_wait3A_21 = tpu.memref_slice %arg3[%dma_wait3A_19, %dma_wait3A_20] : memref<100000x128xf32, #tpu.memory_space<hbm>> -> memref<100000x128xf32, #tpu.memory_space<hbm>>
      tpu.wait_indirect_dma semaphore(%arg11 : memref<!tpu.dma_semaphore, #tpu.memory_space<semaphore_mem>>) src(%dma_wait3A_21 : memref<100000x128xf32, #tpu.memory_space<hbm>>) dst(%arg9 : memref<128x128xf32, #tpu.memory_space<vmem>>)
      "tpu.region"() ({
        %run_scoped3A = tpu.sem_alloc : memref<!tpu.dma_semaphore, #tpu.memory_space<semaphore_mem>>
        %dma_start3A_22 = arith.constant 0 : i32
        %dma_start3A_23 = tpu.memref_slice %arg5[%add3A_11, %dma_start3A_22] : memref<602112x128xf32, #tpu.memory_space<hbm>> -> memref<128x128xf32, #tpu.memory_space<hbm>>
        %dma_start3A_24 = arith.constant 0 : i32
        %dma_start3A_25 = tpu.memref_slice %arg5[%add3A_11, %dma_start3A_24] : memref<602112x128xf32, #tpu.memory_space<hbm>> -> memref<128x128xf32, #tpu.memory_space<hbm>>
        tpu.enqueue_dma source(%arg8 : memref<128x128xf32, #tpu.memory_space<vmem>>) target(%dma_start3A_25 : memref<128x128xf32, #tpu.memory_space<hbm>>) target_semaphore(%run_scoped3A : memref<!tpu.dma_semaphore, #tpu.memory_space<semaphore_mem>>)
        %dma_wait3A_26 = arith.constant 0 : i32
        %dma_wait3A_27 = tpu.memref_slice %arg5[%add3A_11, %dma_wait3A_26] : memref<602112x128xf32, #tpu.memory_space<hbm>> -> memref<128x128xf32, #tpu.memory_space<hbm>>
        %dma_wait3A_28 = arith.constant 0 : i32
        %dma_wait3A_29 = tpu.memref_slice %arg5[%add3A_11, %dma_wait3A_28] : memref<602112x128xf32, #tpu.memory_space<hbm>> -> memref<128x128xf32, #tpu.memory_space<hbm>>
        tpu.wait_dma2 semaphore(%run_scoped3A : memref<!tpu.dma_semaphore, #tpu.memory_space<semaphore_mem>>) src(%arg8 : memref<128x128xf32, #tpu.memory_space<vmem>>) dst(%dma_wait3A_29 : memref<128x128xf32, #tpu.memory_space<hbm>>)
        tpu.yield
      }) : () -> ()
      "tpu.region"() ({
        %run_scoped3A = tpu.sem_alloc : memref<!tpu.dma_semaphore, #tpu.memory_space<semaphore_mem>>
        %dma_start3A_22 = arith.constant 0 : i32
        %dma_start3A_23 = tpu.memref_slice %arg6[%add3A_11, %dma_start3A_22] : memref<602112x128xf32, #tpu.memory_space<hbm>> -> memref<128x128xf32, #tpu.memory_space<hbm>>
        %dma_start3A_24 = arith.constant 0 : i32
        %dma_start3A_25 = tpu.memref_slice %arg6[%add3A_11, %dma_start3A_24] : memref<602112x128xf32, #tpu.memory_space<hbm>> -> memref<128x128xf32, #tpu.memory_space<hbm>>
        tpu.enqueue_dma source(%arg9 : memref<128x128xf32, #tpu.memory_space<vmem>>) target(%dma_start3A_25 : memref<128x128xf32, #tpu.memory_space<hbm>>) target_semaphore(%run_scoped3A : memref<!tpu.dma_semaphore, #tpu.memory_space<semaphore_mem>>)
        %dma_wait3A_26 = arith.constant 0 : i32
        %dma_wait3A_27 = tpu.memref_slice %arg6[%add3A_11, %dma_wait3A_26] : memref<602112x128xf32, #tpu.memory_space<hbm>> -> memref<128x128xf32, #tpu.memory_space<hbm>>
        %dma_wait3A_28 = arith.constant 0 : i32
        %dma_wait3A_29 = tpu.memref_slice %arg6[%add3A_11, %dma_wait3A_28] : memref<602112x128xf32, #tpu.memory_space<hbm>> -> memref<128x128xf32, #tpu.memory_space<hbm>>
        tpu.wait_dma2 semaphore(%run_scoped3A : memref<!tpu.dma_semaphore, #tpu.memory_space<semaphore_mem>>) src(%arg9 : memref<128x128xf32, #tpu.memory_space<vmem>>) dst(%dma_wait3A_29 : memref<128x128xf32, #tpu.memory_space<hbm>>)
        tpu.yield
      }) : () -> ()
    }
    %scan3A_7 = arith.constant 147 : i32
    return
  }
}

module attributes {stable_mosaic.version = 14 : i64} {
  func.func @_proj_body(%arg0: i32, %arg1: memref<2000x128xf32, #tpu.memory_space<vmem>>, %arg2: memref<128x384xf32, #tpu.memory_space<vmem>>, %arg3: memref<1x384xf32, #tpu.memory_space<vmem>>, %arg4: memref<128x128xf32, #tpu.memory_space<vmem>>, %arg5: memref<1x128xf32, #tpu.memory_space<vmem>>, %arg6: memref<128x128xf32, #tpu.memory_space<vmem>>, %arg7: memref<1x128xf32, #tpu.memory_space<vmem>>, %arg8: memref<2000x128xf32, #tpu.memory_space<vmem>>, %arg9: memref<2000x128xf32, #tpu.memory_space<vmem>>, %arg10: memref<2000x128xf32, #tpu.memory_space<vmem>>) attributes {dimension_semantics = [#tpu.dimension_semantics<arbitrary>], iteration_bounds = array<i64: 25>, scalar_prefetch = 0 : i64, scratch_operands = 0 : i64, tpu.core_type = #tpu.core_type<tc>, window_params = [{transform_indices = @transform_0, window_bounds = array<i64: 2000, 128>}, {pipeline_mode = #tpu.pipeline_mode<synchronous>, transform_indices = @transform_1, window_bounds = array<i64: 128, 384>}, {pipeline_mode = #tpu.pipeline_mode<synchronous>, transform_indices = @transform_2, window_bounds = array<i64: 1, 384>}, {pipeline_mode = #tpu.pipeline_mode<synchronous>, transform_indices = @transform_3, window_bounds = array<i64: 128, 128>}, {pipeline_mode = #tpu.pipeline_mode<synchronous>, transform_indices = @transform_4, window_bounds = array<i64: 1, 128>}, {pipeline_mode = #tpu.pipeline_mode<synchronous>, transform_indices = @transform_5, window_bounds = array<i64: 128, 128>}, {pipeline_mode = #tpu.pipeline_mode<synchronous>, transform_indices = @transform_6, window_bounds = array<i64: 1, 128>}, {transform_indices = @transform_7, window_bounds = array<i64: 2000, 128>}, {transform_indices = @transform_8, window_bounds = array<i64: 2000, 128>}, {transform_indices = @transform_9, window_bounds = array<i64: 2000, 128>}]} {
    %get3A = arith.constant 0 : index
    %get3A_0 = arith.constant 0 : index
    %get3A_1 = vector.load %arg1[%get3A, %get3A_0] : memref<2000x128xf32, #tpu.memory_space<vmem>>, vector<2000x128xf32>
    %get3A_2 = arith.constant 0 : index
    %get3A_3 = arith.constant 0 : index
    %get3A_4 = vector.load %arg2[%get3A_2, %get3A_3] : memref<128x384xf32, #tpu.memory_space<vmem>>, vector<128x384xf32>
    %dot_general3A = arith.constant dense<0.000000e+00> : vector<2000x384xf32>
    %dot_general3A_5 = tpu.matmul %get3A_1, %get3A_4, %dot_general3A {dimension_numbers = #tpu.dot_dimension_numbers<[1], [0], [0], [1], [0, 0, 1, 1], [], []>, transpose_lhs_hint = false} : vector<2000x128xf32>, vector<128x384xf32>, vector<2000x384xf32> -> vector<2000x384xf32>
    %get3A_6 = arith.constant 0 : index
    %get3A_7 = arith.constant 0 : index
    %get3A_8 = vector.load %arg3[%get3A_6, %get3A_7] : memref<1x384xf32, #tpu.memory_space<vmem>>, vector<1x384xf32>
    %add3A = vector.broadcast %get3A_8 : vector<1x384xf32> to vector<2000x384xf32>
    %add3A_9 = arith.addf %dot_general3A_5, %add3A : vector<2000x384xf32>
    %slice3A = vector.extract_strided_slice %add3A_9 {offsets = [0, 128], sizes = [2000, 128], strides = [1, 1]} : vector<2000x384xf32> to vector<2000x128xf32>
    %swap3A = arith.constant 0 : index
    %swap3A_10 = arith.constant 0 : index
    %swap3A_11 = vector.load %arg8[%swap3A, %swap3A_10] : memref<2000x128xf32, #tpu.memory_space<vmem>>, vector<2000x128xf32>
    tpu.vector_store %arg8[%swap3A, %swap3A_10], %slice3A {strides = array<i32>} : memref<2000x128xf32, #tpu.memory_space<vmem>>, vector<2000x128xf32>,
    %slice3A_12 = vector.extract_strided_slice %add3A_9 {offsets = [0, 0], sizes = [2000, 128], strides = [1, 1]} : vector<2000x384xf32> to vector<2000x128xf32>
    %get3A_13 = arith.constant 0 : index
    %get3A_14 = arith.constant 0 : index
    %get3A_15 = vector.load %arg4[%get3A_13, %get3A_14] : memref<128x128xf32, #tpu.memory_space<vmem>>, vector<128x128xf32>
    %dot_general3A_16 = arith.constant dense<0.000000e+00> : vector<2000x128xf32>
    %dot_general3A_17 = tpu.matmul %slice3A_12, %get3A_15, %dot_general3A_16 {dimension_numbers = #tpu.dot_dimension_numbers<[1], [0], [0], [1], [0, 0, 1, 1], [], []>, transpose_lhs_hint = false} : vector<2000x128xf32>, vector<128x128xf32>, vector<2000x128xf32> -> vector<2000x128xf32>
    %get3A_18 = arith.constant 0 : index
    %get3A_19 = arith.constant 0 : index
    %get3A_20 = vector.load %arg5[%get3A_18, %get3A_19] : memref<1x128xf32, #tpu.memory_space<vmem>>, vector<1x128xf32>
    %add3A_21 = vector.broadcast %get3A_20 : vector<1x128xf32> to vector<2000x128xf32>
    %add3A_22 = arith.addf %dot_general3A_17, %add3A_21 : vector<2000x128xf32>
    %swap3A_23 = arith.constant 0 : index
    %swap3A_24 = arith.constant 0 : index
    %swap3A_25 = vector.load %arg9[%swap3A_23, %swap3A_24] : memref<2000x128xf32, #tpu.memory_space<vmem>>, vector<2000x128xf32>
    tpu.vector_store %arg9[%swap3A_23, %swap3A_24], %add3A_22 {strides = array<i32>} : memref<2000x128xf32, #tpu.memory_space<vmem>>, vector<2000x128xf32>,
    %slice3A_26 = vector.extract_strided_slice %add3A_9 {offsets = [0, 256], sizes = [2000, 128], strides = [1, 1]} : vector<2000x384xf32> to vector<2000x128xf32>
    %get3A_27 = arith.constant 0 : index
    %get3A_28 = arith.constant 0 : index
    %get3A_29 = vector.load %arg6[%get3A_27, %get3A_28] : memref<128x128xf32, #tpu.memory_space<vmem>>, vector<128x128xf32>
    %dot_general3A_30 = arith.constant dense<0.000000e+00> : vector<2000x128xf32>
    %dot_general3A_31 = tpu.matmul %slice3A_26, %get3A_29, %dot_general3A_30 {dimension_numbers = #tpu.dot_dimension_numbers<[1], [0], [0], [1], [0, 0, 1, 1], [], []>, transpose_lhs_hint = false} : vector<2000x128xf32>, vector<128x128xf32>, vector<2000x128xf32> -> vector<2000x128xf32>
    %get3A_32 = arith.constant 0 : index
    %get3A_33 = arith.constant 0 : index
    %get3A_34 = vector.load %arg7[%get3A_32, %get3A_33] : memref<1x128xf32, #tpu.memory_space<vmem>>, vector<1x128xf32>
    %add3A_35 = vector.broadcast %get3A_34 : vector<1x128xf32> to vector<2000x128xf32>
    %add3A_36 = arith.addf %dot_general3A_31, %add3A_35 : vector<2000x128xf32>
    %swap3A_37 = arith.constant 0 : index
    %swap3A_38 = arith.constant 0 : index
    %swap3A_39 = vector.load %arg10[%swap3A_37, %swap3A_38] : memref<2000x128xf32, #tpu.memory_space<vmem>>, vector<2000x128xf32>
    tpu.vector_store %arg10[%swap3A_37, %swap3A_38], %add3A_36 {strides = array<i32>} : memref<2000x128xf32, #tpu.memory_space<vmem>>, vector<2000x128xf32>,
    return
  }
  func.func @transform_0(%arg0: i32) -> (i32, i32) {
    %c0_i32 = arith.constant 0 : i32
    %c0_i32_0 = arith.constant 0 : i32
    return %arg0, %c0_i32 : i32, i32
  }
  func.func @transform_1(%arg0: i32) -> (i32, i32) {
    %c0_i32 = arith.constant 0 : i32
    %c0_i32_0 = arith.constant 0 : i32
    %c0_i32_1 = arith.constant 0 : i32
    return %c0_i32, %c0_i32_0 : i32, i32
  }
  func.func @transform_2(%arg0: i32) -> (i32, i32) {
    %c0_i32 = arith.constant 0 : i32
    %c0_i32_0 = arith.constant 0 : i32
    %c0_i32_1 = arith.constant 0 : i32
    return %c0_i32, %c0_i32_0 : i32, i32
  }
  func.func @transform_3(%arg0: i32) -> (i32, i32) {
    %c0_i32 = arith.constant 0 : i32
    %c0_i32_0 = arith.constant 0 : i32
    %c0_i32_1 = arith.constant 0 : i32
    return %c0_i32, %c0_i32_0 : i32, i32
  }
  func.func @transform_4(%arg0: i32) -> (i32, i32) {
    %c0_i32 = arith.constant 0 : i32
    %c0_i32_0 = arith.constant 0 : i32
    %c0_i32_1 = arith.constant 0 : i32
    return %c0_i32, %c0_i32_0 : i32, i32
  }
  func.func @transform_5(%arg0: i32) -> (i32, i32) {
    %c0_i32 = arith.constant 0 : i32
    %c0_i32_0 = arith.constant 0 : i32
    %c0_i32_1 = arith.constant 0 : i32
    return %c0_i32, %c0_i32_0 : i32, i32
  }
  func.func @transform_6(%arg0: i32) -> (i32, i32) {
    %c0_i32 = arith.constant 0 : i32
    %c0_i32_0 = arith.constant 0 : i32
    %c0_i32_1 = arith.constant 0 : i32
    return %c0_i32, %c0_i32_0 : i32, i32
  }
  func.func @transform_7(%arg0: i32) -> (i32, i32) {
    %c0_i32 = arith.constant 0 : i32
    %c0_i32_0 = arith.constant 0 : i32
    return %arg0, %c0_i32 : i32, i32
  }
  func.func @transform_8(%arg0: i32) -> (i32, i32) {
    %c0_i32 = arith.constant 0 : i32
    %c0_i32_0 = arith.constant 0 : i32
    return %arg0, %c0_i32 : i32, i32
  }
  func.func @transform_9(%arg0: i32) -> (i32, i32) {
    %c0_i32 = arith.constant 0 : i32
    %c0_i32_0 = arith.constant 0 : i32
    return %arg0, %c0_i32 : i32, i32
  }
}

module attributes {stable_mosaic.version = 14 : i64} {
  func.func @_edge_body(%arg0: i32, %arg1: i32, %arg2: memref<784x7xi32, #tpu.memory_space<smem>>, %arg3: memref<1x1x256xi32, #tpu.memory_space<vmem>>, %arg4: memref<1x1x256xf32, #tpu.memory_space<vmem>>, %arg5: memref<256x128xf32, #tpu.memory_space<vmem>>, %arg6: memref<256x128xf32, #tpu.memory_space<vmem>>, %arg7: memref<128x128xf32, #tpu.memory_space<vmem>>, %arg8: memref<1x8xf32, #tpu.memory_space<vmem>>, %arg9: memref<1x8xf32, #tpu.memory_space<vmem>>, %arg10: memref<128x8xf32, #tpu.memory_space<vmem>>, %arg11: memref<128x128xf32, #tpu.memory_space<vmem>>) attributes {dimension_semantics = [#tpu.dimension_semantics<arbitrary>, #tpu.dimension_semantics<arbitrary>], iteration_bounds = array<i64: 784, 7>, scalar_prefetch = 1 : i64, scratch_operands = 0 : i64, tpu.core_type = #tpu.core_type<tc>, window_params = [{transform_indices = @transform_0, window_bounds = array<i64: 1, 1, 256>}, {transform_indices = @transform_1, window_bounds = array<i64: 1, 1, 256>}, {transform_indices = @transform_2, window_bounds = array<i64: 256, 128>}, {transform_indices = @transform_3, window_bounds = array<i64: 256, 128>}, {transform_indices = @transform_4, window_bounds = array<i64: 128, 128>}, {pipeline_mode = #tpu.pipeline_mode<synchronous>, transform_indices = @transform_5, window_bounds = array<i64: 1, 8>}, {pipeline_mode = #tpu.pipeline_mode<synchronous>, transform_indices = @transform_6, window_bounds = array<i64: 1, 8>}, {transform_indices = @transform_7, window_bounds = array<i64: 128, 8>}, {transform_indices = @transform_8, window_bounds = array<i64: 128, 128>}]} {
    %get3A = arith.constant 0 : index
    %get3A_0 = arith.constant 0 : index
    %get3A_1 = arith.constant 0 : index
    %get3A_2 = vector.load %arg3[%get3A, %get3A_0, %get3A_1] : memref<1x1x256xi32, #tpu.memory_space<vmem>>, vector<1x1x256xi32>
    %get3A_3 = vector.shape_cast %get3A_2 : vector<1x1x256xi32> to vector<256xi32>
    %mul3A = arith.constant 128 : i32
    %mul3A_4 = arith.muli %arg0, %mul3A : i32
    %sub3A = vector.broadcast %mul3A_4 : i32 to vector<256xi32>
    %sub3A_5 = arith.subi %get3A_3, %sub3A : vector<256xi32>
    %broadcast_in_dim3A = vector.shape_cast %sub3A_5 : vector<256xi32> to vector<256x1xi32>
    %iota3A = tpu.iota {dimensions = array<i32: 1>} : vector<256x128xi32>
    %eq3A = vector.broadcast %broadcast_in_dim3A : vector<256x1xi32> to vector<256x128xi32>
    %eq3A_6 = arith.cmpi eq, %eq3A, %iota3A : vector<256x128xi32>
    %convert_element_type3A = arith.extui %eq3A_6 : vector<256x128xi1> to vector<256x128xi32>
    %convert_element_type3A_7 = arith.sitofp %convert_element_type3A : vector<256x128xi32> to vector<256x128xf32>
    %iota3A_8 = tpu.iota {dimensions = array<i32: 0>} : vector<128x8xi32>
    %jit3A = arith.constant 16 : i32
    %div3A = vector.broadcast %jit3A : i32 to vector<128x8xi32>
    %div3A_9 = arith.divsi %iota3A_8, %div3A : vector<128x8xi32>
    %sign3A = arith.constant 0 : i32
    %sign3A_10 = vector.broadcast %sign3A : i32 to vector<128x8xi32>
    %sign3A_11 = arith.cmpi sgt, %iota3A_8, %sign3A_10 : vector<128x8xi32>
    %sign3A_12 = arith.extui %sign3A_11 : vector<128x8xi1> to vector<128x8xi32>
    %sign3A_13 = arith.constant 0 : i32
    %sign3A_14 = vector.broadcast %sign3A_13 : i32 to vector<128x8xi32>
    %sign3A_15 = arith.cmpi slt, %iota3A_8, %sign3A_14 : vector<128x8xi32>
    %sign3A_16 = arith.extui %sign3A_15 : vector<128x8xi1> to vector<128x8xi32>
    %sign3A_17 = arith.subi %sign3A_12, %sign3A_16 : vector<128x8xi32>
    %sign3A_18 = arith.constant 0 : i32
    %sign3A_19 = arith.cmpi sgt, %jit3A, %sign3A_18 : i32
    %sign3A_20 = arith.extui %sign3A_19 : i1 to i32
    %sign3A_21 = arith.constant 0 : i32
    %sign3A_22 = arith.cmpi slt, %jit3A, %sign3A_21 : i32
    %sign3A_23 = arith.extui %sign3A_22 : i1 to i32
    %sign3A_24 = arith.subi %sign3A_20, %sign3A_23 : i32
    %ne3A = vector.broadcast %sign3A_24 : i32 to vector<128x8xi32>
    %ne3A_25 = arith.cmpi ne, %sign3A_17, %ne3A : vector<128x8xi32>
    %rem3A = vector.broadcast %jit3A : i32 to vector<128x8xi32>
    %rem3A_26 = arith.remsi %iota3A_8, %rem3A : vector<128x8xi32>
    %ne3A_27 = arith.constant 0 : i32
    %ne3A_28 = vector.broadcast %ne3A_27 : i32 to vector<128x8xi32>
    %ne3A_29 = arith.cmpi ne, %rem3A_26, %ne3A_28 : vector<128x8xi32>
    %and3A = arith.andi %ne3A_25, %ne3A_29 : vector<128x8xi1>
    %sub3A_30 = arith.constant 1 : i32
    %sub3A_31 = vector.broadcast %sub3A_30 : i32 to vector<128x8xi32>
    %sub3A_32 = arith.subi %div3A_9, %sub3A_31 : vector<128x8xi32>
    %select_n3A = arith.select %and3A, %sub3A_32, %div3A_9 : vector<128x8xi1>, vector<128x8xi32>
    %iota3A_33 = tpu.iota {dimensions = array<i32: 1>} : vector<128x8xi32>
    %eq3A_34 = arith.cmpi eq, %select_n3A, %iota3A_33 : vector<128x8xi32>
    %convert_element_type3A_35 = arith.extui %eq3A_34 : vector<128x8xi1> to vector<128x8xi32>
    %convert_element_type3A_36 = arith.sitofp %convert_element_type3A_35 : vector<128x8xi32> to vector<128x8xf32>
    %get3A_37 = arith.constant 0 : index
    %get3A_38 = arith.constant 0 : index
    %get3A_39 = vector.load %arg5[%get3A_37, %get3A_38] : memref<256x128xf32, #tpu.memory_space<vmem>>, vector<256x128xf32>
    %get3A_40 = arith.constant 0 : index
    %get3A_41 = arith.constant 0 : index
    %get3A_42 = vector.load %arg6[%get3A_40, %get3A_41] : memref<256x128xf32, #tpu.memory_space<vmem>>, vector<256x128xf32>
    %get3A_43 = arith.constant 0 : index
    %get3A_44 = arith.constant 0 : index
    %get3A_45 = vector.load %arg7[%get3A_43, %get3A_44] : memref<128x128xf32, #tpu.memory_space<vmem>>, vector<128x128xf32>
    %dot_general3A = arith.constant dense<0.000000e+00> : vector<256x128xf32>
    %dot_general3A_46 = tpu.matmul %convert_element_type3A_7, %get3A_45, %dot_general3A {dimension_numbers = #tpu.dot_dimension_numbers<[1], [0], [0], [1], [0, 0, 1, 1], [], []>, transpose_lhs_hint = false} : vector<256x128xf32>, vector<128x128xf32>, vector<256x128xf32> -> vector<256x128xf32>
    %mul3A_47 = arith.mulf %dot_general3A_46, %get3A_39 : vector<256x128xf32>
    %dot_general3A_48 = arith.constant dense<0.000000e+00> : vector<256x8xf32>
    %dot_general3A_49 = tpu.matmul %mul3A_47, %convert_element_type3A_36, %dot_general3A_48 {dimension_numbers = #tpu.dot_dimension_numbers<[1], [0], [0], [1], [0, 0, 1, 1], [], []>, transpose_lhs_hint = false} : vector<256x128xf32>, vector<128x8xf32>, vector<256x8xf32> -> vector<256x8xf32>
    %get3A_50 = arith.constant 0 : index
    %get3A_51 = arith.constant 0 : index
    %get3A_52 = arith.constant 0 : index
    %get3A_53 = vector.load %arg4[%get3A_50, %get3A_51, %get3A_52] : memref<1x1x256xf32, #tpu.memory_space<vmem>>, vector<1x1x256xf32>
    %get3A_54 = vector.shape_cast %get3A_53 : vector<1x1x256xf32> to vector<256xf32>
    %broadcast_in_dim3A_55 = vector.shape_cast %get3A_54 : vector<256xf32> to vector<256x1xf32>
    %get3A_56 = arith.constant 0 : index
    %get3A_57 = arith.constant 0 : index
    %get3A_58 = vector.load %arg8[%get3A_56, %get3A_57] : memref<1x8xf32, #tpu.memory_space<vmem>>, vector<1x8xf32>
    %mul3A_59 = vector.broadcast %broadcast_in_dim3A_55 : vector<256x1xf32> to vector<256x8xf32>
    %mul3A_60 = vector.broadcast %get3A_58 : vector<1x8xf32> to vector<256x8xf32>
    %mul3A_61 = arith.mulf %mul3A_59, %mul3A_60 : vector<256x8xf32>
    %sub3A_62 = arith.constant 1.000000e+00 : f32
    %sub3A_63 = vector.broadcast %sub3A_62 : f32 to vector<256x1xf32>
    %sub3A_64 = arith.subf %sub3A_63, %broadcast_in_dim3A_55 : vector<256x1xf32>
    %get3A_65 = arith.constant 0 : index
    %get3A_66 = arith.constant 0 : index
    %get3A_67 = vector.load %arg9[%get3A_65, %get3A_66] : memref<1x8xf32, #tpu.memory_space<vmem>>, vector<1x8xf32>
    %mul3A_68 = vector.broadcast %sub3A_64 : vector<256x1xf32> to vector<256x8xf32>
    %mul3A_69 = vector.broadcast %get3A_67 : vector<1x8xf32> to vector<256x8xf32>
    %mul3A_70 = arith.mulf %mul3A_68, %mul3A_69 : vector<256x8xf32>
    %add3A = arith.addf %mul3A_61, %mul3A_70 : vector<256x8xf32>
    %mul3A_71 = arith.mulf %dot_general3A_49, %add3A : vector<256x8xf32>
    %mul3A_72 = arith.constant 2.500000e-01 : f32
    %mul3A_73 = vector.broadcast %mul3A_72 : f32 to vector<256x8xf32>
    %mul3A_74 = arith.mulf %mul3A_71, %mul3A_73 : vector<256x8xf32>
    %exp3A = math.exp %mul3A_74 : vector<256x8xf32>
    %transpose3A = tpu.transpose %convert_element_type3A_36, [1, 0] : vector<128x8xf32> -> vector<8x128xf32>
    %dot_general3A_75 = arith.constant dense<0.000000e+00> : vector<256x128xf32>
    %dot_general3A_76 = tpu.matmul %exp3A, %transpose3A, %dot_general3A_75 {dimension_numbers = #tpu.dot_dimension_numbers<[1], [0], [0], [1], [0, 0, 1, 1], [], []>, transpose_lhs_hint = false} : vector<256x8xf32>, vector<8x128xf32>, vector<256x128xf32> -> vector<256x128xf32>
    %mul3A_77 = arith.mulf %get3A_42, %dot_general3A_76 : vector<256x128xf32>
    %eq3A_78 = arith.constant 0 : i32
    %eq3A_79 = arith.cmpi eq, %arg1, %eq3A_78 : i32
    %convert_element_type3A_80 = arith.extui %eq3A_79 : i1 to i32
    %cond3A = arith.constant 0 : i32
    %cond3A_81 = arith.cmpi ne, %convert_element_type3A_80, %cond3A : i32
    scf.if %cond3A_81 {
      %broadcast_in_dim3A_99 = arith.constant 0.000000e+00 : f32
      %broadcast_in_dim3A_100 = vector.broadcast %broadcast_in_dim3A_99 : f32 to vector<128x8xf32>
      %swap3A_101 = arith.constant 0 : index
      %swap3A_102 = arith.constant 0 : index
      %swap3A_103 = vector.load %arg10[%swap3A_101, %swap3A_102] : memref<128x8xf32, #tpu.memory_space<vmem>>, vector<128x8xf32>
      tpu.vector_store %arg10[%swap3A_101, %swap3A_102], %broadcast_in_dim3A_100 {strides = array<i32>} : memref<128x8xf32, #tpu.memory_space<vmem>>, vector<128x8xf32>,
      %broadcast_in_dim3A_104 = arith.constant 0.000000e+00 : f32
      %broadcast_in_dim3A_105 = vector.broadcast %broadcast_in_dim3A_104 : f32 to vector<128x128xf32>
      %swap3A_106 = arith.constant 0 : index
      %swap3A_107 = arith.constant 0 : index
      %swap3A_108 = vector.load %arg11[%swap3A_106, %swap3A_107] : memref<128x128xf32, #tpu.memory_space<vmem>>, vector<128x128xf32>
      tpu.vector_store %arg11[%swap3A_106, %swap3A_107], %broadcast_in_dim3A_105 {strides = array<i32>} : memref<128x128xf32, #tpu.memory_space<vmem>>, vector<128x128xf32>,
    } else {
    }
    %get3A_82 = arith.constant 0 : index
    %get3A_83 = arith.constant 0 : index
    %get3A_84 = vector.load %arg10[%get3A_82, %get3A_83] : memref<128x8xf32, #tpu.memory_space<vmem>>, vector<128x8xf32>
    %dot_general3A_85 = arith.constant dense<0.000000e+00> : vector<128x8xf32>
    %dot_general3A_86 = tpu.matmul %convert_element_type3A_7, %exp3A, %dot_general3A_85 {dimension_numbers = #tpu.dot_dimension_numbers<[0], [0], [1], [1], [0, 1, 1, 1], [], []>, transpose_lhs_hint = false} : vector<256x128xf32>, vector<256x8xf32>, vector<128x8xf32> -> vector<128x8xf32>
    %add3A_87 = arith.addf %get3A_84, %dot_general3A_86 : vector<128x8xf32>
    %swap3A = arith.constant 0 : index
    %swap3A_88 = arith.constant 0 : index
    %swap3A_89 = vector.load %arg10[%swap3A, %swap3A_88] : memref<128x8xf32, #tpu.memory_space<vmem>>, vector<128x8xf32>
    tpu.vector_store %arg10[%swap3A, %swap3A_88], %add3A_87 {strides = array<i32>} : memref<128x8xf32, #tpu.memory_space<vmem>>, vector<128x8xf32>,
    %get3A_90 = arith.constant 0 : index
    %get3A_91 = arith.constant 0 : index
    %get3A_92 = vector.load %arg11[%get3A_90, %get3A_91] : memref<128x128xf32, #tpu.memory_space<vmem>>, vector<128x128xf32>
    %dot_general3A_93 = arith.constant dense<0.000000e+00> : vector<128x128xf32>
    %dot_general3A_94 = tpu.matmul %convert_element_type3A_7, %mul3A_77, %dot_general3A_93 {dimension_numbers = #tpu.dot_dimension_numbers<[0], [0], [1], [1], [0, 1, 1, 1], [], []>, transpose_lhs_hint = false} : vector<256x128xf32>, vector<256x128xf32>, vector<128x128xf32> -> vector<128x128xf32>
    %add3A_95 = arith.addf %get3A_92, %dot_general3A_94 : vector<128x128xf32>
    %swap3A_96 = arith.constant 0 : index
    %swap3A_97 = arith.constant 0 : index
    %swap3A_98 = vector.load %arg11[%swap3A_96, %swap3A_97] : memref<128x128xf32, #tpu.memory_space<vmem>>, vector<128x128xf32>
    tpu.vector_store %arg11[%swap3A_96, %swap3A_97], %add3A_95 {strides = array<i32>} : memref<128x128xf32, #tpu.memory_space<vmem>>, vector<128x128xf32>,
    return
  }
  func.func @transform_0(%arg0: i32, %arg1: i32, %arg2: memref<784x7xi32, #tpu.memory_space<smem>>) -> (i32, i32, i32) {
    %get3A = arith.index_cast %arg0 : i32 to index
    %get3A_0 = arith.index_cast %arg1 : i32 to index
    %get3A_1 = memref.load %arg2[%get3A, %get3A_0] : memref<784x7xi32, #tpu.memory_space<smem>>
    %c0_i32 = arith.constant 0 : i32
    %c0_i32_2 = arith.constant 0 : i32
    %c0_i32_3 = arith.constant 0 : i32
    return %get3A_1, %c0_i32, %c0_i32_2 : i32, i32, i32
  }
  func.func @transform_1(%arg0: i32, %arg1: i32, %arg2: memref<784x7xi32, #tpu.memory_space<smem>>) -> (i32, i32, i32) {
    %get3A = arith.index_cast %arg0 : i32 to index
    %get3A_0 = arith.index_cast %arg1 : i32 to index
    %get3A_1 = memref.load %arg2[%get3A, %get3A_0] : memref<784x7xi32, #tpu.memory_space<smem>>
    %c0_i32 = arith.constant 0 : i32
    %c0_i32_2 = arith.constant 0 : i32
    %c0_i32_3 = arith.constant 0 : i32
    return %get3A_1, %c0_i32, %c0_i32_2 : i32, i32, i32
  }
  func.func @transform_2(%arg0: i32, %arg1: i32, %arg2: memref<784x7xi32, #tpu.memory_space<smem>>) -> (i32, i32) {
    %get3A = arith.index_cast %arg0 : i32 to index
    %get3A_0 = arith.index_cast %arg1 : i32 to index
    %get3A_1 = memref.load %arg2[%get3A, %get3A_0] : memref<784x7xi32, #tpu.memory_space<smem>>
    %c0_i32 = arith.constant 0 : i32
    %c0_i32_2 = arith.constant 0 : i32
    return %get3A_1, %c0_i32 : i32, i32
  }
  func.func @transform_3(%arg0: i32, %arg1: i32, %arg2: memref<784x7xi32, #tpu.memory_space<smem>>) -> (i32, i32) {
    %get3A = arith.index_cast %arg0 : i32 to index
    %get3A_0 = arith.index_cast %arg1 : i32 to index
    %get3A_1 = memref.load %arg2[%get3A, %get3A_0] : memref<784x7xi32, #tpu.memory_space<smem>>
    %c0_i32 = arith.constant 0 : i32
    %c0_i32_2 = arith.constant 0 : i32
    return %get3A_1, %c0_i32 : i32, i32
  }
  func.func @transform_4(%arg0: i32, %arg1: i32, %arg2: memref<784x7xi32, #tpu.memory_space<smem>>) -> (i32, i32) {
    %c0_i32 = arith.constant 0 : i32
    %c0_i32_0 = arith.constant 0 : i32
    return %arg0, %c0_i32 : i32, i32
  }
  func.func @transform_5(%arg0: i32, %arg1: i32, %arg2: memref<784x7xi32, #tpu.memory_space<smem>>) -> (i32, i32) {
    %c0_i32 = arith.constant 0 : i32
    %c0_i32_0 = arith.constant 0 : i32
    %c0_i32_1 = arith.constant 0 : i32
    return %c0_i32, %c0_i32_0 : i32, i32
  }
  func.func @transform_6(%arg0: i32, %arg1: i32, %arg2: memref<784x7xi32, #tpu.memory_space<smem>>) -> (i32, i32) {
    %c0_i32 = arith.constant 0 : i32
    %c0_i32_0 = arith.constant 0 : i32
    %c0_i32_1 = arith.constant 0 : i32
    return %c0_i32, %c0_i32_0 : i32, i32
  }
  func.func @transform_7(%arg0: i32, %arg1: i32, %arg2: memref<784x7xi32, #tpu.memory_space<smem>>) -> (i32, i32) {
    %c0_i32 = arith.constant 0 : i32
    %c0_i32_0 = arith.constant 0 : i32
    return %arg0, %c0_i32 : i32, i32
  }
  func.func @transform_8(%arg0: i32, %arg1: i32, %arg2: memref<784x7xi32, #tpu.memory_space<smem>>) -> (i32, i32) {
    %c0_i32 = arith.constant 0 : i32
    %c0_i32_0 = arith.constant 0 : i32
    return %arg0, %c0_i32 : i32, i32
  }
}

module attributes {stable_mosaic.version = 14 : i64} {
  func.func @_finish_body(%arg0: i32, %arg1: memref<2000x128xf32, #tpu.memory_space<vmem>>, %arg2: memref<2000x8xf32, #tpu.memory_space<vmem>>, %arg3: memref<2000x128xf32, #tpu.memory_space<vmem>>, %arg4: memref<128x128xf32, #tpu.memory_space<vmem>>, %arg5: memref<1x128xf32, #tpu.memory_space<vmem>>, %arg6: memref<1x128xf32, #tpu.memory_space<vmem>>, %arg7: memref<1x128xf32, #tpu.memory_space<vmem>>, %arg8: memref<1x1xf32, #tpu.memory_space<vmem>>, %arg9: memref<2000x128xf32, #tpu.memory_space<vmem>>) attributes {dimension_semantics = [#tpu.dimension_semantics<arbitrary>], iteration_bounds = array<i64: 25>, scalar_prefetch = 0 : i64, scratch_operands = 0 : i64, tpu.core_type = #tpu.core_type<tc>, window_params = [{transform_indices = @transform_0, window_bounds = array<i64: 2000, 128>}, {transform_indices = @transform_1, window_bounds = array<i64: 2000, 8>}, {transform_indices = @transform_2, window_bounds = array<i64: 2000, 128>}, {pipeline_mode = #tpu.pipeline_mode<synchronous>, transform_indices = @transform_3, window_bounds = array<i64: 128, 128>}, {pipeline_mode = #tpu.pipeline_mode<synchronous>, transform_indices = @transform_4, window_bounds = array<i64: 1, 128>}, {pipeline_mode = #tpu.pipeline_mode<synchronous>, transform_indices = @transform_5, window_bounds = array<i64: 1, 128>}, {pipeline_mode = #tpu.pipeline_mode<synchronous>, transform_indices = @transform_6, window_bounds = array<i64: 1, 128>}, {pipeline_mode = #tpu.pipeline_mode<synchronous>, transform_indices = @transform_7, window_bounds = array<i64: 1, 1>}, {transform_indices = @transform_8, window_bounds = array<i64: 2000, 128>}]} {
    %iota3A = tpu.iota {dimensions = array<i32: 1>} : vector<8x128xi32>
    %jit3A = arith.constant 16 : i32
    %div3A = vector.broadcast %jit3A : i32 to vector<8x128xi32>
    %div3A_0 = arith.divsi %iota3A, %div3A : vector<8x128xi32>
    %sign3A = arith.constant 0 : i32
    %sign3A_1 = vector.broadcast %sign3A : i32 to vector<8x128xi32>
    %sign3A_2 = arith.cmpi sgt, %iota3A, %sign3A_1 : vector<8x128xi32>
    %sign3A_3 = arith.extui %sign3A_2 : vector<8x128xi1> to vector<8x128xi32>
    %sign3A_4 = arith.constant 0 : i32
    %sign3A_5 = vector.broadcast %sign3A_4 : i32 to vector<8x128xi32>
    %sign3A_6 = arith.cmpi slt, %iota3A, %sign3A_5 : vector<8x128xi32>
    %sign3A_7 = arith.extui %sign3A_6 : vector<8x128xi1> to vector<8x128xi32>
    %sign3A_8 = arith.subi %sign3A_3, %sign3A_7 : vector<8x128xi32>
    %sign3A_9 = arith.constant 0 : i32
    %sign3A_10 = arith.cmpi sgt, %jit3A, %sign3A_9 : i32
    %sign3A_11 = arith.extui %sign3A_10 : i1 to i32
    %sign3A_12 = arith.constant 0 : i32
    %sign3A_13 = arith.cmpi slt, %jit3A, %sign3A_12 : i32
    %sign3A_14 = arith.extui %sign3A_13 : i1 to i32
    %sign3A_15 = arith.subi %sign3A_11, %sign3A_14 : i32
    %ne3A = vector.broadcast %sign3A_15 : i32 to vector<8x128xi32>
    %ne3A_16 = arith.cmpi ne, %sign3A_8, %ne3A : vector<8x128xi32>
    %rem3A = vector.broadcast %jit3A : i32 to vector<8x128xi32>
    %rem3A_17 = arith.remsi %iota3A, %rem3A : vector<8x128xi32>
    %ne3A_18 = arith.constant 0 : i32
    %ne3A_19 = vector.broadcast %ne3A_18 : i32 to vector<8x128xi32>
    %ne3A_20 = arith.cmpi ne, %rem3A_17, %ne3A_19 : vector<8x128xi32>
    %and3A = arith.andi %ne3A_16, %ne3A_20 : vector<8x128xi1>
    %sub3A = arith.constant 1 : i32
    %sub3A_21 = vector.broadcast %sub3A : i32 to vector<8x128xi32>
    %sub3A_22 = arith.subi %div3A_0, %sub3A_21 : vector<8x128xi32>
    %select_n3A = arith.select %and3A, %sub3A_22, %div3A_0 : vector<8x128xi1>, vector<8x128xi32>
    %iota3A_23 = tpu.iota {dimensions = array<i32: 0>} : vector<8x128xi32>
    %eq3A = arith.cmpi eq, %select_n3A, %iota3A_23 : vector<8x128xi32>
    %convert_element_type3A = arith.extui %eq3A : vector<8x128xi1> to vector<8x128xi32>
    %convert_element_type3A_24 = arith.sitofp %convert_element_type3A : vector<8x128xi32> to vector<8x128xf32>
    %get3A = arith.constant 0 : index
    %get3A_25 = arith.constant 0 : index
    %get3A_26 = vector.load %arg2[%get3A, %get3A_25] : memref<2000x8xf32, #tpu.memory_space<vmem>>, vector<2000x8xf32>
    %dot_general3A = arith.constant dense<0.000000e+00> : vector<2000x128xf32>
    %dot_general3A_27 = tpu.matmul %get3A_26, %convert_element_type3A_24, %dot_general3A {dimension_numbers = #tpu.dot_dimension_numbers<[1], [0], [0], [1], [0, 0, 1, 1], [], []>, transpose_lhs_hint = false} : vector<2000x8xf32>, vector<8x128xf32>, vector<2000x128xf32> -> vector<2000x128xf32>
    %add3A = arith.constant 1.000000e-16 : f32
    %add3A_28 = vector.broadcast %add3A : f32 to vector<2000x128xf32>
    %add3A_29 = arith.addf %dot_general3A_27, %add3A_28 : vector<2000x128xf32>
    %get3A_30 = arith.constant 0 : index
    %get3A_31 = arith.constant 0 : index
    %get3A_32 = vector.load %arg1[%get3A_30, %get3A_31] : memref<2000x128xf32, #tpu.memory_space<vmem>>, vector<2000x128xf32>
    %div3A_33 = arith.divf %get3A_32, %add3A_29 : vector<2000x128xf32>
    %get3A_34 = arith.constant 0 : index
    %get3A_35 = arith.constant 0 : index
    %get3A_36 = vector.load %arg4[%get3A_34, %get3A_35] : memref<128x128xf32, #tpu.memory_space<vmem>>, vector<128x128xf32>
    %dot_general3A_37 = arith.constant dense<0.000000e+00> : vector<2000x128xf32>
    %dot_general3A_38 = tpu.matmul %div3A_33, %get3A_36, %dot_general3A_37 {dimension_numbers = #tpu.dot_dimension_numbers<[1], [0], [0], [1], [0, 0, 1, 1], [], []>, transpose_lhs_hint = false} : vector<2000x128xf32>, vector<128x128xf32>, vector<2000x128xf32> -> vector<2000x128xf32>
    %get3A_39 = arith.constant 0 : index
    %get3A_40 = arith.constant 0 : index
    %get3A_41 = vector.load %arg5[%get3A_39, %get3A_40] : memref<1x128xf32, #tpu.memory_space<vmem>>, vector<1x128xf32>
    %add3A_42 = vector.broadcast %get3A_41 : vector<1x128xf32> to vector<2000x128xf32>
    %add3A_43 = arith.addf %dot_general3A_38, %add3A_42 : vector<2000x128xf32>
    %get3A_44 = arith.constant 0 : index
    %get3A_45 = arith.constant 0 : index
    %get3A_46 = vector.load %arg8[%get3A_44, %get3A_45] : memref<1x1xf32, #tpu.memory_space<vmem>>, vector<1x1xf32>
    %get3A_47 = vector.extract %get3A_46[0, 0] : f32 from vector<1x1xf32>
    %mul3A = vector.broadcast %get3A_47 : f32 to vector<2000x128xf32>
    %mul3A_48 = arith.mulf %mul3A, %add3A_43 : vector<2000x128xf32>
    %sub3A_49 = arith.constant 1.000000e+00 : f32
    %sub3A_50 = arith.subf %sub3A_49, %get3A_47 : f32
    %get3A_51 = arith.constant 0 : index
    %get3A_52 = arith.constant 0 : index
    %get3A_53 = vector.load %arg3[%get3A_51, %get3A_52] : memref<2000x128xf32, #tpu.memory_space<vmem>>, vector<2000x128xf32>
    %mul3A_54 = vector.broadcast %sub3A_50 : f32 to vector<2000x128xf32>
    %mul3A_55 = arith.mulf %mul3A_54, %get3A_53 : vector<2000x128xf32>
    %add3A_56 = arith.addf %mul3A_48, %mul3A_55 : vector<2000x128xf32>
    %reduce_sum3A = arith.constant dense<0.000000e+00> : vector<2000xf32>
    %reduce_sum3A_57 = vector.multi_reduction <add>, %add3A_56, %reduce_sum3A [1] : vector<2000x128xf32> to vector<2000xf32>
    %broadcast_in_dim3A = vector.shape_cast %reduce_sum3A_57 : vector<2000xf32> to vector<2000x1xf32>
    %div3A_58 = arith.constant 1.280000e+02 : f32
    %div3A_59 = vector.broadcast %div3A_58 : f32 to vector<2000x1xf32>
    %div3A_60 = arith.divf %broadcast_in_dim3A, %div3A_59 : vector<2000x1xf32>
    %sub3A_61 = vector.broadcast %div3A_60 : vector<2000x1xf32> to vector<2000x128xf32>
    %sub3A_62 = arith.subf %add3A_56, %sub3A_61 : vector<2000x128xf32>
    %integer_pow3A = arith.mulf %sub3A_62, %sub3A_62 : vector<2000x128xf32>
    %reduce_sum3A_63 = arith.constant dense<0.000000e+00> : vector<2000xf32>
    %reduce_sum3A_64 = vector.multi_reduction <add>, %integer_pow3A, %reduce_sum3A_63 [1] : vector<2000x128xf32> to vector<2000xf32>
    %broadcast_in_dim3A_65 = vector.shape_cast %reduce_sum3A_64 : vector<2000xf32> to vector<2000x1xf32>
    %div3A_66 = arith.constant 1.280000e+02 : f32
    %div3A_67 = vector.broadcast %div3A_66 : f32 to vector<2000x1xf32>
    %div3A_68 = arith.divf %broadcast_in_dim3A_65, %div3A_67 : vector<2000x1xf32>
    %sub3A_69 = vector.broadcast %div3A_60 : vector<2000x1xf32> to vector<2000x128xf32>
    %sub3A_70 = arith.subf %add3A_56, %sub3A_69 : vector<2000x128xf32>
    %add3A_71 = arith.constant 9.99999974E-6 : f32
    %add3A_72 = vector.broadcast %add3A_71 : f32 to vector<2000x1xf32>
    %add3A_73 = arith.addf %div3A_68, %add3A_72 : vector<2000x1xf32>
    %sqrt3A = math.sqrt %add3A_73 : vector<2000x1xf32>
    %div3A_74 = vector.broadcast %sqrt3A : vector<2000x1xf32> to vector<2000x128xf32>
    %div3A_75 = arith.divf %sub3A_70, %div3A_74 : vector<2000x128xf32>
    %get3A_76 = arith.constant 0 : index
    %get3A_77 = arith.constant 0 : index
    %get3A_78 = vector.load %arg6[%get3A_76, %get3A_77] : memref<1x128xf32, #tpu.memory_space<vmem>>, vector<1x128xf32>
    %mul3A_79 = vector.broadcast %get3A_78 : vector<1x128xf32> to vector<2000x128xf32>
    %mul3A_80 = arith.mulf %div3A_75, %mul3A_79 : vector<2000x128xf32>
    %get3A_81 = arith.constant 0 : index
    %get3A_82 = arith.constant 0 : index
    %get3A_83 = vector.load %arg7[%get3A_81, %get3A_82] : memref<1x128xf32, #tpu.memory_space<vmem>>, vector<1x128xf32>
    %add3A_84 = vector.broadcast %get3A_83 : vector<1x128xf32> to vector<2000x128xf32>
    %add3A_85 = arith.addf %mul3A_80, %add3A_84 : vector<2000x128xf32>
    %mul3A_86 = arith.constant 5.000000e-01 : f32
    %mul3A_87 = vector.broadcast %mul3A_86 : f32 to vector<2000x128xf32>
    %mul3A_88 = arith.mulf %add3A_85, %mul3A_87 : vector<2000x128xf32>
    %mul3A_89 = arith.constant 0.707106769 : f32
    %mul3A_90 = vector.broadcast %mul3A_89 : f32 to vector<2000x128xf32>
    %mul3A_91 = arith.mulf %add3A_85, %mul3A_90 : vector<2000x128xf32>
    %erf3A = math.erf %mul3A_91 : vector<2000x128xf32>
    %add3A_92 = arith.constant 1.000000e+00 : f32
    %add3A_93 = vector.broadcast %add3A_92 : f32 to vector<2000x128xf32>
    %add3A_94 = arith.addf %add3A_93, %erf3A : vector<2000x128xf32>
    %mul3A_95 = arith.mulf %mul3A_88, %add3A_94 : vector<2000x128xf32>
    %swap3A = arith.constant 0 : index
    %swap3A_96 = arith.constant 0 : index
    %swap3A_97 = vector.load %arg9[%swap3A, %swap3A_96] : memref<2000x128xf32, #tpu.memory_space<vmem>>, vector<2000x128xf32>
    tpu.vector_store %arg9[%swap3A, %swap3A_96], %mul3A_95 {strides = array<i32>} : memref<2000x128xf32, #tpu.memory_space<vmem>>, vector<2000x128xf32>,
    return
  }
  func.func @transform_0(%arg0: i32) -> (i32, i32) {
    %c0_i32 = arith.constant 0 : i32
    %c0_i32_0 = arith.constant 0 : i32
    return %arg0, %c0_i32 : i32, i32
  }
  func.func @transform_1(%arg0: i32) -> (i32, i32) {
    %c0_i32 = arith.constant 0 : i32
    %c0_i32_0 = arith.constant 0 : i32
    return %arg0, %c0_i32 : i32, i32
  }
  func.func @transform_2(%arg0: i32) -> (i32, i32) {
    %c0_i32 = arith.constant 0 : i32
    %c0_i32_0 = arith.constant 0 : i32
    return %arg0, %c0_i32 : i32, i32
  }
  func.func @transform_3(%arg0: i32) -> (i32, i32) {
    %c0_i32 = arith.constant 0 : i32
    %c0_i32_0 = arith.constant 0 : i32
    %c0_i32_1 = arith.constant 0 : i32
    return %c0_i32, %c0_i32_0 : i32, i32
  }
  func.func @transform_4(%arg0: i32) -> (i32, i32) {
    %c0_i32 = arith.constant 0 : i32
    %c0_i32_0 = arith.constant 0 : i32
    %c0_i32_1 = arith.constant 0 : i32
    return %c0_i32, %c0_i32_0 : i32, i32
  }
  func.func @transform_5(%arg0: i32) -> (i32, i32) {
    %c0_i32 = arith.constant 0 : i32
    %c0_i32_0 = arith.constant 0 : i32
    %c0_i32_1 = arith.constant 0 : i32
    return %c0_i32, %c0_i32_0 : i32, i32
  }
  func.func @transform_6(%arg0: i32) -> (i32, i32) {
    %c0_i32 = arith.constant 0 : i32
    %c0_i32_0 = arith.constant 0 : i32
    %c0_i32_1 = arith.constant 0 : i32
    return %c0_i32, %c0_i32_0 : i32, i32
  }
  func.func @transform_7(%arg0: i32) -> (i32, i32) {
    %c0_i32 = arith.constant 0 : i32
    %c0_i32_0 = arith.constant 0 : i32
    %c0_i32_1 = arith.constant 0 : i32
    return %c0_i32, %c0_i32_0 : i32, i32
  }
  func.func @transform_8(%arg0: i32) -> (i32, i32) {
    %c0_i32 = arith.constant 0 : i32
    %c0_i32_0 = arith.constant 0 : i32
    return %arg0, %c0_i32 : i32, i32
  }
}

</mosaic_0001>

<sc_bundles>
// kernel: gather_offload_async_start.1
scs
__scs_entry_jumppad:
0x0: {  	(pc) =	sbr.rel $0x88, $3  }
0x1: {  	(tag) =	ssettag $0x0;
	lr =	simm.s32 $0x1  }
0x2: {  	[smem:$0x3F89] =	sst lr;
	_ =	strace $0xD0000000  }
0x3: {  	_ = 	snop  }
0x4: {  	_ = 	snop  }
0x5: {  	_ = 	snop  }
0x6: {  	_ = 	snop  }
0x7: {  	_ = 	snop  }
__scs_overlays_trampoline_lowered:
0x8: {  	[smem:$0x3F98] =	sst s0  }
0x9: {  	[smem:$0x3F99] =	sst s1  }
0xa: {  	[smem:$0x3F9A] =	sst s2  }
0xb: {  	[smem:$0x3F9B] =	sst s3  }
0xc: {  	[smem:$0x3F9C] =	sst s4  }
0xd: {  	[smem:$0x3F9D] =	sst s5  }
0xe: {  	[smem:$0x3F9E] =	sst s6  }
0xf: {  	[smem:$0x3F9F] =	sst s7  }
0x10: {  	[smem:$0x3FA0] =	sst s8  }
0x11: {  	[smem:$0x3FA1] =	sst s9;
	s0 =	simm.s32 @!p0 $0x0  }
0x12: {  	s1 =	sld [smem:$0x3F87];
	s0 =	simm.s32 @p0 $0x1  }
0x13: {  	[smem:$0x3FA2] =	sst s0;
	s0 =	simm.s32 @!p1 $0x0  }
0x14: {  	s2 =	sld [smem:$0x3F86];
	s0 =	simm.s32 @p1 $0x1  }
0x15: {  	[smem:$0x3FA3] =	sst s0;
	s0 =	simm.s32 @!p2 $0x0  }
0x16: {  	s3 =	sld [smem:$0x3FDB];
	s0 =	simm.s32 @p2 $0x1  }
0x17: {  	s4 =	simm.s32 $0x1BF5;
	[smem:$0x3FA5] =	sst s0  }
0x18: {  	s0 =	sld [smem:$0x3F88];
	_ =	swait.ge [sflag:s4], $0x0  }
0x19: {  	s7 =	sld [smem:$0x3F89]  }
0x1a: {  	s8 =	sadd.s32 $0xFFFFE003, lr  }
0x1b: {  	s9 =	sadd.s32 $0xFFFFFEF7, lr;
	s5 =	simm.s32 $0xFFFFFFFF;
	p2 =	slt.u32 s8, $0xFFFFF086  }
0x1c: {  	p1 =	slt.u32 s9, $0xF7A;
	s5 =	simm.s32 @!p2 $0x0  }
0x1d: {  	s5 =	simm.s32 @p1 $0x1;
	p0 =	seq.s32 s7, s2  }
0x1e: {  	s7 =	smul.u32 @!p0 $0xF7A, s2;
	p2 =	seq.s32 @!p0 s5, $0x0  }
0x1f: {  	s9 =	smul.u32 $0xF7A, s1;
	s8 =	simm.s32 @!p0 $0x1BF5;
	p2 =	por !p2, p0  }
0x20: {  	[sflag:s8] =	ssyncset.s32 @!p0 $0xFFFFF086;
	s6 =	sadd.s32 @!p0 s3, s7;
	s7 =	simm.s32 @!p0 $0x108  }
0x21: {  	s3 =	sadd.s32 s3, s9;
	s6 =	sadd.s32 @!p0 $0x88, s6;
	s7 =	simm.s32 @p2 $0x1082  }
0x22: {  	[simem:s7], [sflag:s8] =	dma.local @!p0 [hbm:s6], $0xF7A  }
0x23: {  	s9 =	sor.u32 $0xD0000000, s2;
	s6 =	simm.s32 $0x108;
	_ =	swait.ge @!p0 [sflag:s8], $0x0  }
0x24: {  	s3 =	sadd.s32 $0x88, s3;
	s6 =	simm.s32 @!p1 $0x1082;
	[sflag:s4] =	ssyncset.s32 $0xFFFFF086  }
0x25: {  	[simem:s6], [sflag:s4] =	dma.local [hbm:s3], $0xF7A  }
0x26: {  	[smem:$0x3F89] =	sst s1;
	(tag) =	ssettag s2;
	_ =	strace s9  }
0x27: {  	s1 =	sld [smem:$0x3F99]  }
0x28: {  	s2 =	sld [smem:$0x3F9A]  }
0x29: {  	s4 =	sld [smem:$0x3F9C]  }
0x2a: {  	p0 =	seq.s32 s5, $0x0;
	s5 =	sld [smem:$0x3F9D]  }
0x2b: {  	s6 =	sld [smem:$0x3F9E]  }
0x2c: {  	s7 =	sld [smem:$0x3F9F]  }
0x2d: {  	s3 =	simm.s32 $0x108;
	s8 =	sld [smem:$0x3FA0]  }
0x2e: {  	s3 =	simm.s32 @!p0 $0x1082;
	s9 =	sld [smem:$0x3FA1]  }
0x2f: {  	lr =	sadd.s32 s0, s3;
	s0 =	sld [smem:$0x3F98]  }
0x30: {  	s3 =	sld [smem:$0x3F9B]  }
0x31: {  	[smem:$0x3FA4] =	sst s10  }
0x32: {  	s10 =	sld [smem:$0x3FA2];
	_ =	sdelay $0x3  }
0x33: {  	p0 =	seq.s32 s10, $0x1;
	s10 =	sld [smem:$0x3FA4];
	_ =	sdelay $0x3  }
0x34: {  	[smem:$0x3FA4] =	sst s10  }
0x35: {  	s10 =	sld [smem:$0x3FA3];
	_ =	sdelay $0x3  }
0x36: {  	p1 =	seq.s32 s10, $0x1;
	s10 =	sld [smem:$0x3FA4];
	_ =	sdelay $0x3  }
0x37: {  	[smem:$0x3FA4] =	sst s10  }
0x38: {  	s10 =	sld [smem:$0x3FA5]  }
0x39: {  	_ = 	snop;
	(pc) =	sbr.ind lr, $3  }
0x3a: {  	_ = 	snop  }
0x3b: {  	_ = 	snop  }
0x3c: {  	p2 =	seq.s32 s10, $0x1;
	s10 =	sld [smem:$0x3FA4]  }
0x3d: {  	_ =	shalt  }
0x3e: {  	_ =	shalt  }
0x3f: {  	_ =	shalt  }
0x40: {  	_ =	shalt  }
0x41: {  	_ =	shalt  }
0x42: {  	_ =	shalt  }
0x43: {  	_ =	shalt  }
0x44: {  	_ =	shalt  }
0x45: {  	_ =	shalt  }
0x46: {  	_ =	shalt  }
0x47: {  	_ =	shalt  }
0x48: {  	_ =	shalt  }
0x49: {  	_ =	shalt  }
0x4a: {  	_ =	shalt  }
0x4b: {  	_ =	shalt  }
0x4c: {  	_ =	shalt  }
0x4d: {  	_ =	shalt  }
0x4e: {  	_ =	shalt  }
0x4f: {  	_ =	shalt  }
0x50: {  	_ =	shalt  }
0x51: {  	_ =	shalt  }
0x52: {  	_ =	shalt  }
0x53: {  	_ =	shalt  }
0x54: {  	_ =	shalt  }
0x55: {  	_ =	shalt  }
0x56: {  	_ =	shalt  }
0x57: {  	_ =	shalt  }
0x58: {  	_ =	shalt  }
0x59: {  	_ =	shalt  }
0x5a: {  	_ =	shalt  }
0x5b: {  	_ =	shalt  }
0x5c: {  	_ =	shalt  }
0x5d: {  	_ =	shalt  }
0x5e: {  	_ =	shalt  }
0x5f: {  	_ =	shalt  }
0x60: {  	_ =	shalt  }
0x61: {  	_ =	shalt  }
0x62: {  	_ =	shalt  }
0x63: {  	_ =	shalt  }
0x64: {  	_ =	shalt  }
0x65: {  	_ =	shalt  }
0x66: {  	_ =	shalt  }
0x67: {  	_ =	shalt  }
0x68: {  	_ =	shalt  }
0x69: {  	_ =	shalt  }
0x6a: {  	_ =	shalt  }
0x6b: {  	_ =	shalt  }
0x6c: {  	_ =	shalt  }
0x6d: {  	_ =	shalt  }
0x6e: {  	_ =	shalt  }
0x6f: {  	_ =	shalt  }
0x70: {  	_ =	shalt  }
0x71: {  	_ =	shalt  }
0x72: {  	_ =	shalt  }
0x73: {  	_ =	shalt  }
0x74: {  	_ =	shalt  }
0x75: {  	_ =	shalt  }
0x76: {  	_ =	shalt  }
0x77: {  	_ =	shalt  }
0x78: {  	_ =	shalt  }
0x79: {  	_ =	shalt  }
0x7a: {  	_ =	shalt  }
0x7b: {  	_ =	shalt  }
0x7c: {  	_ =	shalt  }
0x7d: {  	_ =	shalt  }
0x7e: {  	_ =	shalt  }
0x7f: {  	_ =	shalt  }
0x80: {  	_ =	shalt  }
0x81: {  	_ =	shalt  }
0x82: {  	_ =	shalt  }
0x83: {  	_ =	shalt  }
0x84: {  	_ =	shalt  }
0x85: {  	_ =	shalt  }
0x86: {  	_ =	shalt  }
0x87: {  	_ =	shalt  }
.Lfunc_end0:
.L_simem_size_0:
called_computation.1_lowered:
.L_overlay_start_0:
0x88: {  	s2 =	sld [smem:$0x3FD9]  }
0x89: {  	s3 =	sld [smem:$0x3FFE];
	_ =	sdelay $0x1  }
0x8a: {  	s1 =	srdreg.scid  }
0x8b: {  	s0 =	sand.u32 $0x1, s1  }
0x8c: {  	s16 =	sshll.u32 s0, $0xA;
	s2 =	sadd.s32 s3, s2  }
0x8d: {  	s2 =	sadd.s32 s2, s16  }
0x8e: {  	[smem:$0x3FB0] =	sst s2  }
0x8f: {  	_ = 	snop  }
0x90: {  	(tm) =	ssettm $0x1  }
0x91: {  	s17 =	sld [smem:$0x3FFB];
	_ =	sdelay $0x3  }
0x92: {  	_ =	strace s17  }
0x93: {  	s2 =	sld [smem:$0x3FFC];
	_ =	sdelay $0x3  }
0x94: {  	_ =	strace s2  }
0x95: {  	s2 =	sld [smem:$0x3FFD];
	_ =	sdelay $0x3  }
0x96: {  	_ =	strace s2  }
0x97: {  	_ =	strace $0x8FFFFFFF  }
0x98: {  	s18 =	sld [smem:$0x3FDB];
	_ =	sdelay $0x1  }
0x99: {  	s19 =	simm.s32 $_scs_section_size  }
0x9a: {  	s4 =	simm.s32 $_size__tile_overlayer_lowered;
	s5 =	simm.s32 $_tile_overlayer_lowered  }
0x9b: {  	s22 =	simm.s32 $0x1BFF;
	s21 =	sshll.u32 s5, $0x1;
	s2 =	sadd.s32 s19, s18  }
0x9c: {  	s6 =	simm.s32 $0x0;
	s20 =	sshll.u32 s4, $0x1;
	s4 =	sadd.s32 s21, s2  }
0x9d: {  	[timem:s6], [sflag:s22] =	dma.local [hbm:s4], s20  }
0x9e: {  	_ =	swait.ge [sflag:s22], s20  }
0x9f: {  	s3 =	ssub.s32 $0x0, s20;
	[sflag:s22] =	ssyncset.done $0x0  }
0xa0: {  	[sflag:s22] =	ssyncadd.s32 s3;
	_ =	sdelay $0x1  }
0xa1: {  	s23 =	simm.s32 $0x1B8B  }
0xa2: {  	_ =	swait.ge [sflag:s23], $0x1  }
0xa3: {  	[sflag:s23] =	ssyncset.done $0x0  }
0xa4: {  	s25 =	simm.s32 $0x1B8E;
	s24 =	sld [smem:$0x3FFE];
	[sflag:s23] =	ssyncadd.s32 $0xFFFFFFFF  }
0xa5: {  	s26 =	simm.s32 $execute0_lowered;
	[smem:$0x3FD2] =	sst s25  }
0xa6: {  	s4 =	sshll.u32 s26, $0x1;
	_ =	strace $0x80000049;
	[dreg:$0x1] =	wrdreg $0xFFFFFFFF  }
0xa7: {  	s28 =	simm.s32 $_size_execute0_lowered;
	s2 =	sadd.s32 s2, s4;
	[dreg:$0x0] =	wrdreg $0x0  }
0xa8: {  	s4 =	sshll.u32 s28, $0x1;
	[dreg:$0x2] =	wrdreg s2  }
0xa9: {  	[dreg:$0x3] =	wrdreg s4  }
0xaa: {  	[dreg:$0x4] =	wrdreg $0xC0  }
0xab: {  	_ =	task [dreg:s6], $0x5FFFF  }
0xac: {  	[dreg:$0x1] =	wrdreg $0xFFFFFFFF  }
0xad: {  	[dreg:$0x0] =	wrdreg $0x60  }
0xae: {  	[dreg:$0x2] =	wrdreg s24  }
0xaf: {  	[dreg:$0x3] =	wrdreg $0x9  }
0xb0: {  	_ =	task.clear_ibuf [dreg:s6], $0x4FFFF;
	_ =	strace $0x90000049  }
0xb1: {  	s29 =	simm.s32 $0x9;
	_ =	strace $0x8000004B  }
0xb2: {  	_ =	swait.ge [sflag:s29], $0x1  }
0xb3: {  	[sflag:s29] =	ssyncadd.s32 $0xFFFFFFFF  }
0xb4: {  	_ =	strace $0x9000004B  }
0xb5: {  	_ =	sfence  }
0xb6: {  	s30 =	sld [smem:$0x0];
	_ =	sdelay $0x2  }
0xb7: {  	s31 =	sshll.u32 s1, $0xD;
	s1 =	sshrl.u32 s1, $0x2  }
0xb8: {  	s3 =	sand.u32 $0x4000, s31;
	s1 =	sadd.s32 s1, s30  }
0xb9: {  	s0 =	sor.u32 s3, s0;
	s1 =	sshll.u32 s1, $0x11  }
0xba: {  	s0 =	sor.u32 s1, s0  }
0xbb: {  	s0 =	sadd.s32 $0x8F2B, s0  }
0xbc: {  	[sflag:s0] =	ssyncadd.remote.s32 $0x1  }
0xbd: {  	_ =	sfence.sel $0xFFFF  }
0xbe: {  	[dreg:$0x0] =	wrdreg $0xFFFFFFFF;
	(pc) =	sbr.abs _section_cstart, $3  }
0xbf: {  	[dreg:$0x1] =	wrdreg $0xFFFFFFFF  }
0xc0: {  	_ =	task.clear_ibuf [dreg:s6], $0x2FFFF;
	_ =	strace $0x9FFFFFFF  }
0xc1: {  	(tm) =	ssettm $0x7FFFFFFF  }
tec
execute0_lowered:
.L_overlay_start_1:
0x0: {  	(tag) =	ssettag $0x1  }
0x1: {  	s8 =	rddreg [dreg:$0x0]  }
0x2: {  	s0 =	rddreg [dreg:$0x1];
	_ =	strace $0x8000004A;
	s1 =	stileid.u32  }
0x3: {  	s3 =	srdreg.scid;
	s4 =	simm.s32 $0x1;
	s7 =	simm.s32 $0x1  }
0x4: {  	s9 =	simm.s32 $0x1;
	s10 =	simm.s32 $0x3;
	s13 =	simm.s32 $0x0  }
0x5: {  	s12 =	simm.s32 $0x0;
	s5 =	sand.u32 $0x1, s3;
	s6 =	sshll.u32 s1, $0x1  }
0x6: {  	s2 =	sadd.s32 $0x4A00, s8;
	s3 =	sadd.s32 $0x29600, s8;
	s5 =	sor.u32 s6, s5  }
.Ltmp0:
0x7: {  	[sflag:s4] =	ssyncpa.u1 $0x0;
	p0 =	slt.u32 s5, $0x13;
	(pc) =	sbr.rel .LBB2_1-.Ltmp0, $4  }
0x8: {  	s6 =	simm.s32 $0x2;
	s7 =	simm.s32 @!p0 $0x0;
	p0 =	sne.s32 s5, $0x12  }
0x9: {  	[sflag:s6] =	ssyncpa.u1 $0x0;
	s5 =	smul.u32 $0x2EE0, s5;
	s9 =	simm.s32 @!p0 $0x0  }
0xa: {  	s8 =	sadd.s32 $0x4E2600, s8;
	[sflag:s10] =	ssyncpa.u1 $0x0;
	s7 =	sadd.s32 s9, s7  }
0xb: {  	vm0 =	vmmov $0xffff;
	s10 =	simm.s32 $0x0;
	s11 =	smov.u32 s5;
	s9 =	sadd.s32 $0x1, s7  }
.LBB2_4:
0xc: {  	v2 =	vnsel vm1, $0x0, v2  }
0xd: {  	vm1 =	vgt.s32 v0, $0x0;
	v2 =	vmin.u32 v2, $0x927BF  }
0xe: {  	v0 =	vnsel vm1, $0x0, v0  }
0xf: {  	v0 =	vmin.u32 v0, $0x927BF  }
0x10: {  	[tilespmem:s18], [sflag:$0x1] =	stream.indirect_vreg.gather [hbm4b:s2+s10], $0x1, v1, vm0, $0x4038;
	[tilespmem:$0xBB80] =	vst v63  }
0x11: {  	(ifvalue) =	ssetifvalue $0x7FFFFFFF  }
0x12: {  	[tilespmem:s15], [sflag:$0x1] =	stream.indirect_vreg.gather [hbm4b:s2+s10], $0x1, v2, vm0, $0x4038;
	[tilespmem:$0xBB80] =	vst v63  }
0x13: {  	s29 =	sadd.s32 $0x10, s15;
	(ifvalue) =	ssetifvalue $0x7FFFFFFF  }
0x14: {  	[tilespmem:s29], [sflag:$0x1] =	stream.indirect_vreg.gather [hbm4b:s2+s10], $0x1, v0, vm0, $0x4038;
	[tilespmem:$0xBB80] =	vst v63  }
0x15: {  	_ =	swait.ge [sflag:s4], $0x2EE0  }
0x16: {  	s30 =	sshrl.u32 s13, $0x3;
	[sflag:s4] =	ssyncset.done $0x0  }
0x17: {  	s31 =	sand.u32 $0x7, s13;
	s15 =	sadd.s32 s8, s30;
	[sflag:s4] =	ssyncadd.s32 $0xFFFFD120  }
0x18: {  	[hbm4b:s15+s31] =	stream.linear.scatter [tilespmem:s14], [sflag:$0x3], $0x2EE0, $0x38;
	[tilespmem:$0xBB80] =	vst v63  }
.LBB2_5:
0x19: {  	s15 =	sadd.s32 $0x5DC00, s11  }
0x1a: {  	p1 =	sgt.s32 s15, $0x927BF  }
0x1b: {  	s15 =	smov.u32 @p1 s5;
	p1 =	sne.s32 s12, s9  }
.Ltmp1:
0x1c: {  	p0 =	slt.u32 s12, $0x2;
	(pc) =	sbr.rel @!p1 .LBB2_6-.Ltmp1, $4  }
0x1d: {  	s14 =	simm.s32 @!p0 $0x3  }
0x1e: {  	_ =	swait.ge @!p0 [sflag:s14], $0x2EE0  }
0x1f: {  	s16 =	sadd.s32 $0x1, s12;
	s13 =	smov.u32 s11;
	[sflag:s14] =	ssyncset.done @!p0 $0x0  }
0x20: {  	s12 =	smov.u32 s16;
	s11 =	smov.u32 s15;
	[sflag:s14] =	ssyncadd.s32 @!p0 $0xFFFFD120  }
.LBB2_1:
0x21: {  	p0 =	sge.u32 s12, s7  }
0x22: {  	s14 =	sxor.u32 @!p0 $0x1, s12  }
0x23: {  	s14 =	smul.u32 @!p0 $0xBB80, s14  }
0x24: {  	s31 =	sadd.s32 $0xFFFFFFFF, s12;
	s15 =	sshrl.u32 @!p0 s11, $0x3  }
0x25: {  	s16 =	sand.u32 @!p0 $0x7, s11;
	s15 =	sadd.s32 @!p0 s3, s15;
	s14 =	sshra.s32 @!p0 s14, $0x2  }
0x26: {  	[tilespmem:s14], [sflag:$0x2] =	stream.linear.gather @!p0 [hbm4b:s15+s16], $0x2EE0, $0x38;
	[tilespmem:$0xBB80] =	vst v63  }
0x27: {  	p0 =	sge.u32 s31, s7  }
.Ltmp2:
0x28: {  	_ = 	snop;
	(pc) =	sbr.rel @p0 .LBB2_5-.Ltmp2, $1  }
0x29: {  	_ =	sdelay $0x3  }
0x2a: {  	s14 =	sand.u32 $0x1, s12  }
0x2b: {  	_ =	swait.ge [sflag:s6], $0x2EE0;
	p0 =	seq.s32 s14, $0x1;
	s14 =	simm.s32 $0x2EE0  }
0x2c: {  	[sflag:s6] =	ssyncset.done $0x0;
	s14 =	simm.s32 @!p0 $0x0  }
0x2d: {  	[sflag:s6] =	ssyncadd.s32 $0xFFFFD120;
	(ifvalue) =	ssetifvalue $0x7FFFFFFF;
	v0 =	vld.msk [tilespmem:s14+$0x0 ss:$0x1], $0xffff;
	_ =	sdelay $0x4  }
0x2e: {  	s15 =	sadd.s32 $0x10, s14;
	vm1 =	vgt.s32 v0, $0x0  }
0x2f: {  	v2 =	vld.msk [tilespmem:s15+$0x0 ss:$0x1], $0xffff;
	v1 =	vnsel vm1, $0x0, v0  }
0x30: {  	v1 =	vmin.u32 v1, $0x927BF;
	_ =	sdelay $0x2  }
0x31: {  	s17 =	simm.s32 $0x20;
	s14 =	sadd.s32 $0x5DC0, s14;
	s16 =	sadd.s32 $0x10, s15  }
0x32: {  	s15 =	sadd.s32 $0x10, s14;
	s18 =	smov.u32 s14;
	v0 =	vld.msk [tilespmem:s16+$0x0 ss:$0x1], $0xffff;
	vm1 =	vgt.s32 v2, $0x0;
	(ifvalue) =	ssetifvalue $0x7FFFFFFF  }
.LBB2_3:
0x33: {  	[tilespmem:s18], [sflag:$0x1] =	stream.indirect_vreg.gather [hbm4b:s2+s10], $0x1, v1, vm0, $0x4038;
	[tilespmem:$0xBB80] =	vst v63  }
0x34: {  	s17 =	sadd.s32 $0x10, s17  }
0x35: {  	v2 =	vnsel vm1, $0x0, v2;
	p0 =	slt.u32 s17, $0x2ED0  }
.Ltmp3:
0x36: {  	s18 =	smov.u32 s15;
	v1 =	vmin.u32 v2, $0x927BF;
	(pc) =	sbr.rel @p0 .LBB2_3-.Ltmp3, $3  }
0x37: {  	_ =	sdelay $0x1  }
0x38: {  	s16 =	sadd.s32 $0x10, s16  }
0x39: {  	vm1 =	vgt.s32 v0, $0x0;
	s15 =	sadd.s32 $0x10, s15;
	v2 =	vmov v0;
	(ifvalue) =	ssetifvalue $0x7FFFFFFF;
	v0 =	vld.msk [tilespmem:s16+$0x0 ss:$0x1], $0xffff  }
.Ltmp4:
0x3a: {  	_ = 	snop;
	(pc) =	sbr.rel .LBB2_4-.Ltmp4, $1  }
0x3b: {  	_ =	sdelay $0x3  }
.LBB2_6:
0x3c: {  	_ =	sfence.sel $0x180000  }
0x3d: {  	s2 =	simm.s32 $0x2;
	[bflag:$0x0] =	sbarrier.arrive $0xFFFF  }
0x3e: {  	s30 =	simm.s32 $0x3;
	[sflag:s2] =	ssyncpa.u1 $0x1  }
0x3f: {  	s31 =	simm.s32 $0x1;
	[sflag:s30] =	ssyncpa.u1 $0x1  }
0x40: {  	[sflag:s31] =	ssyncpa.u1 $0x1  }
0x41: {  	p0 =	sne.s32 s1, $0x0;
	_ =	strace $0x9000004A  }
0x42: {  	s0 =	sadd.s32 @!p0 $0x100000, s0;
	[bflag:$0x2] =	sbarrier.arrive $0xFFFF  }
0x43: {  	[sflag:s0] =	ssyncadd.tile.s32 @!p0 $0x1;
	_ =	shalt  }
.Lfunc_end2:
_tile_overlayer_lowered:
.L_overlay_start_2:
0x44: {  	(tag) =	ssettag $0x2  }
0x45: {  	s0 =	rddreg [dreg:$0x0];
	s2 =	stileid.u32  }
0x46: {  	s1 =	rddreg [dreg:$0x1];
	p0 =	sne.s32 s2, $0x0  }
0x47: {  	s3 =	rddreg [dreg:$0x2];
	[bflag:$0x3] =	sbarrier.arrive $0xFFFF;
	s2 =	simm.s32 @!p0 $0x1C01  }
0x48: {  	[timem:s3], [sflag:s2] =	dma.local @!p0 [hbm:s0], s1  }
0x49: {  	s0 =	simm.s32 @!p0 $0x1  }
0x4a: {  	_ =	swait.ge @!p0 [sflag:s0], s1  }
0x4b: {  	s1 =	ssub.s32 @!p0 $0x0, s1;
	[sflag:s0] =	ssyncset.done @!p0 $0x0  }
0x4c: {  	[sflag:s0] =	ssyncadd.s32 @!p0 s1  }
0x4d: {  	[bflag:$0x3] =	sbarrier.arrive $0xFFFF  }
0x4e: {  	_ =	shalt  }

// kernel: gather_offload_async_start
scs
__scs_entry_jumppad:
0x0: {  	(pc) =	sbr.rel $0x88, $3  }
0x1: {  	(tag) =	ssettag $0x0;
	lr =	simm.s32 $0x1  }
0x2: {  	[smem:$0x3F89] =	sst lr;
	_ =	strace $0xD0000000  }
0x3: {  	_ = 	snop  }
0x4: {  	_ = 	snop  }
0x5: {  	_ = 	snop  }
0x6: {  	_ = 	snop  }
0x7: {  	_ = 	snop  }
__scs_overlays_trampoline_lowered:
0x8: {  	[smem:$0x3F98] =	sst s0  }
0x9: {  	[smem:$0x3F99] =	sst s1  }
0xa: {  	[smem:$0x3F9A] =	sst s2  }
0xb: {  	[smem:$0x3F9B] =	sst s3  }
0xc: {  	[smem:$0x3F9C] =	sst s4  }
0xd: {  	[smem:$0x3F9D] =	sst s5  }
0xe: {  	[smem:$0x3F9E] =	sst s6  }
0xf: {  	[smem:$0x3F9F] =	sst s7  }
0x10: {  	[smem:$0x3FA0] =	sst s8  }
0x11: {  	[smem:$0x3FA1] =	sst s9;
	s0 =	simm.s32 @!p0 $0x0  }
0x12: {  	s1 =	sld [smem:$0x3F87];
	s0 =	simm.s32 @p0 $0x1  }
0x13: {  	[smem:$0x3FA2] =	sst s0;
	s0 =	simm.s32 @!p1 $0x0  }
0x14: {  	s2 =	sld [smem:$0x3F86];
	s0 =	simm.s32 @p1 $0x1  }
0x15: {  	[smem:$0x3FA3] =	sst s0;
	s0 =	simm.s32 @!p2 $0x0  }
0x16: {  	s3 =	sld [smem:$0x3FDB];
	s0 =	simm.s32 @p2 $0x1  }
0x17: {  	s4 =	simm.s32 $0x1BF5;
	[smem:$0x3FA5] =	sst s0  }
0x18: {  	s0 =	sld [smem:$0x3F88];
	_ =	swait.ge [sflag:s4], $0x0  }
0x19: {  	s7 =	sld [smem:$0x3F89]  }
0x1a: {  	s8 =	sadd.s32 $0xFFFFE003, lr  }
0x1b: {  	s9 =	sadd.s32 $0xFFFFFEF7, lr;
	s5 =	simm.s32 $0xFFFFFFFF;
	p2 =	slt.u32 s8, $0xFFFFF086  }
0x1c: {  	p1 =	slt.u32 s9, $0xF7A;
	s5 =	simm.s32 @!p2 $0x0  }
0x1d: {  	s5 =	simm.s32 @p1 $0x1;
	p0 =	seq.s32 s7, s2  }
0x1e: {  	s7 =	smul.u32 @!p0 $0xF7A, s2;
	p2 =	seq.s32 @!p0 s5, $0x0  }
0x1f: {  	s9 =	smul.u32 $0xF7A, s1;
	s8 =	simm.s32 @!p0 $0x1BF5;
	p2 =	por !p2, p0  }
0x20: {  	[sflag:s8] =	ssyncset.s32 @!p0 $0xFFFFF086;
	s6 =	sadd.s32 @!p0 s3, s7;
	s7 =	simm.s32 @!p0 $0x108  }
0x21: {  	s3 =	sadd.s32 s3, s9;
	s6 =	sadd.s32 @!p0 $0x88, s6;
	s7 =	simm.s32 @p2 $0x1082  }
0x22: {  	[simem:s7], [sflag:s8] =	dma.local @!p0 [hbm:s6], $0xF7A  }
0x23: {  	s9 =	sor.u32 $0xD0000000, s2;
	s6 =	simm.s32 $0x108;
	_ =	swait.ge @!p0 [sflag:s8], $0x0  }
0x24: {  	s3 =	sadd.s32 $0x88, s3;
	s6 =	simm.s32 @!p1 $0x1082;
	[sflag:s4] =	ssyncset.s32 $0xFFFFF086  }
0x25: {  	[simem:s6], [sflag:s4] =	dma.local [hbm:s3], $0xF7A  }
0x26: {  	[smem:$0x3F89] =	sst s1;
	(tag) =	ssettag s2;
	_ =	strace s9  }
0x27: {  	s1 =	sld [smem:$0x3F99]  }
0x28: {  	s2 =	sld [smem:$0x3F9A]  }
0x29: {  	s4 =	sld [smem:$0x3F9C]  }
0x2a: {  	p0 =	seq.s32 s5, $0x0;
	s5 =	sld [smem:$0x3F9D]  }
0x2b: {  	s6 =	sld [smem:$0x3F9E]  }
0x2c: {  	s7 =	sld [smem:$0x3F9F]  }
0x2d: {  	s3 =	simm.s32 $0x108;
	s8 =	sld [smem:$0x3FA0]  }
0x2e: {  	s3 =	simm.s32 @!p0 $0x1082;
	s9 =	sld [smem:$0x3FA1]  }
0x2f: {  	lr =	sadd.s32 s0, s3;
	s0 =	sld [smem:$0x3F98]  }
0x30: {  	s3 =	sld [smem:$0x3F9B]  }
0x31: {  	[smem:$0x3FA4] =	sst s10  }
0x32: {  	s10 =	sld [smem:$0x3FA2];
	_ =	sdelay $0x3  }
0x33: {  	p0 =	seq.s32 s10, $0x1;
	s10 =	sld [smem:$0x3FA4];
	_ =	sdelay $0x3  }
0x34: {  	[smem:$0x3FA4] =	sst s10  }
0x35: {  	s10 =	sld [smem:$0x3FA3];
	_ =	sdelay $0x3  }
0x36: {  	p1 =	seq.s32 s10, $0x1;
	s10 =	sld [smem:$0x3FA4];
	_ =	sdelay $0x3  }
0x37: {  	[smem:$0x3FA4] =	sst s10  }
0x38: {  	s10 =	sld [smem:$0x3FA5]  }
0x39: {  	_ = 	snop;
	(pc) =	sbr.ind lr, $3  }
0x3a: {  	_ = 	snop  }
0x3b: {  	_ = 	snop  }
0x3c: {  	p2 =	seq.s32 s10, $0x1;
	s10 =	sld [smem:$0x3FA4]  }
0x3d: {  	_ =	shalt  }
0x3e: {  	_ =	shalt  }
0x3f: {  	_ =	shalt  }
0x40: {  	_ =	shalt  }
0x41: {  	_ =	shalt  }
0x42: {  	_ =	shalt  }
0x43: {  	_ =	shalt  }
0x44: {  	_ =	shalt  }
0x45: {  	_ =	shalt  }
0x46: {  	_ =	shalt  }
0x47: {  	_ =	shalt  }
0x48: {  	_ =	shalt  }
0x49: {  	_ =	shalt  }
0x4a: {  	_ =	shalt  }
0x4b: {  	_ =	shalt  }
0x4c: {  	_ =	shalt  }
0x4d: {  	_ =	shalt  }
0x4e: {  	_ =	shalt  }
0x4f: {  	_ =	shalt  }
0x50: {  	_ =	shalt  }
0x51: {  	_ =	shalt  }
0x52: {  	_ =	shalt  }
0x53: {  	_ =	shalt  }
0x54: {  	_ =	shalt  }
0x55: {  	_ =	shalt  }
0x56: {  	_ =	shalt  }
0x57: {  	_ =	shalt  }
0x58: {  	_ =	shalt  }
0x59: {  	_ =	shalt  }
0x5a: {  	_ =	shalt  }
0x5b: {  	_ =	shalt  }
0x5c: {  	_ =	shalt  }
0x5d: {  	_ =	shalt  }
0x5e: {  	_ =	shalt  }
0x5f: {  	_ =	shalt  }
0x60: {  	_ =	shalt  }
0x61: {  	_ =	shalt  }
0x62: {  	_ =	shalt  }
0x63: {  	_ =	shalt  }
0x64: {  	_ =	shalt  }
0x65: {  	_ =	shalt  }
0x66: {  	_ =	shalt  }
0x67: {  	_ =	shalt  }
0x68: {  	_ =	shalt  }
0x69: {  	_ =	shalt  }
0x6a: {  	_ =	shalt  }
0x6b: {  	_ =	shalt  }
0x6c: {  	_ =	shalt  }
0x6d: {  	_ =	shalt  }
0x6e: {  	_ =	shalt  }
0x6f: {  	_ =	shalt  }
0x70: {  	_ =	shalt  }
0x71: {  	_ =	shalt  }
0x72: {  	_ =	shalt  }
0x73: {  	_ =	shalt  }
0x74: {  	_ =	shalt  }
0x75: {  	_ =	shalt  }
0x76: {  	_ =	shalt  }
0x77: {  	_ =	shalt  }
0x78: {  	_ =	shalt  }
0x79: {  	_ =	shalt  }
0x7a: {  	_ =	shalt  }
0x7b: {  	_ =	shalt  }
0x7c: {  	_ =	shalt  }
0x7d: {  	_ =	shalt  }
0x7e: {  	_ =	shalt  }
0x7f: {  	_ =	shalt  }
0x80: {  	_ =	shalt  }
0x81: {  	_ =	shalt  }
0x82: {  	_ =	shalt  }
0x83: {  	_ =	shalt  }
0x84: {  	_ =	shalt  }
0x85: {  	_ =	shalt  }
0x86: {  	_ =	shalt  }
0x87: {  	_ =	shalt  }
.Lfunc_end0:
.L_simem_size_0:
called_computation_lowered:
.L_overlay_start_0:
0x88: {  	s2 =	sld [smem:$0x3FD9]  }
0x89: {  	s3 =	sld [smem:$0x3FFE];
	_ =	sdelay $0x1  }
0x8a: {  	s1 =	srdreg.scid  }
0x8b: {  	s0 =	sand.u32 $0x1, s1  }
0x8c: {  	s16 =	sshll.u32 s0, $0xA;
	s2 =	sadd.s32 s3, s2  }
0x8d: {  	s2 =	sadd.s32 s2, s16  }
0x8e: {  	[smem:$0x3FB0] =	sst s2  }
0x8f: {  	_ = 	snop  }
0x90: {  	(tm) =	ssettm $0x1  }
0x91: {  	s17 =	sld [smem:$0x3FFB];
	_ =	sdelay $0x3  }
0x92: {  	_ =	strace s17  }
0x93: {  	s2 =	sld [smem:$0x3FFC];
	_ =	sdelay $0x3  }
0x94: {  	_ =	strace s2  }
0x95: {  	s2 =	sld [smem:$0x3FFD];
	_ =	sdelay $0x3  }
0x96: {  	_ =	strace s2  }
0x97: {  	_ =	strace $0x8FFFFFFF  }
0x98: {  	s18 =	sld [smem:$0x3FDB];
	_ =	sdelay $0x1  }
0x99: {  	s19 =	simm.s32 $_scs_section_size  }
0x9a: {  	s4 =	simm.s32 $_size__tile_overlayer_lowered;
	s5 =	simm.s32 $_tile_overlayer_lowered  }
0x9b: {  	s22 =	simm.s32 $0x1BFF;
	s21 =	sshll.u32 s5, $0x1;
	s2 =	sadd.s32 s19, s18  }
0x9c: {  	s6 =	simm.s32 $0x0;
	s20 =	sshll.u32 s4, $0x1;
	s4 =	sadd.s32 s21, s2  }
0x9d: {  	[timem:s6], [sflag:s22] =	dma.local [hbm:s4], s20  }
0x9e: {  	_ =	swait.ge [sflag:s22], s20  }
0x9f: {  	s3 =	ssub.s32 $0x0, s20;
	[sflag:s22] =	ssyncset.done $0x0  }
0xa0: {  	[sflag:s22] =	ssyncadd.s32 s3;
	_ =	sdelay $0x1  }
0xa1: {  	s23 =	simm.s32 $0x1B8B  }
0xa2: {  	_ =	swait.ge [sflag:s23], $0x1  }
0xa3: {  	[sflag:s23] =	ssyncset.done $0x0  }
0xa4: {  	s25 =	simm.s32 $0x1B8E;
	s24 =	sld [smem:$0x3FFE];
	[sflag:s23] =	ssyncadd.s32 $0xFFFFFFFF  }
0xa5: {  	s26 =	simm.s32 $execute0_lowered;
	[smem:$0x3FD2] =	sst s25  }
0xa6: {  	s4 =	sshll.u32 s26, $0x1;
	_ =	strace $0x80000046;
	[dreg:$0x1] =	wrdreg $0xFFFFFFFF  }
0xa7: {  	s28 =	simm.s32 $_size_execute0_lowered;
	s2 =	sadd.s32 s2, s4;
	[dreg:$0x0] =	wrdreg $0x0  }
0xa8: {  	s4 =	sshll.u32 s28, $0x1;
	[dreg:$0x2] =	wrdreg s2  }
0xa9: {  	[dreg:$0x3] =	wrdreg s4  }
0xaa: {  	[dreg:$0x4] =	wrdreg $0xC0  }
0xab: {  	_ =	task [dreg:s6], $0x5FFFF  }
0xac: {  	[dreg:$0x1] =	wrdreg $0xFFFFFFFF  }
0xad: {  	[dreg:$0x0] =	wrdreg $0x60  }
0xae: {  	[dreg:$0x2] =	wrdreg s24  }
0xaf: {  	[dreg:$0x3] =	wrdreg $0x9  }
0xb0: {  	_ =	task.clear_ibuf [dreg:s6], $0x4FFFF;
	_ =	strace $0x90000046  }
0xb1: {  	s29 =	simm.s32 $0x9;
	_ =	strace $0x80000048  }
0xb2: {  	_ =	swait.ge [sflag:s29], $0x1  }
0xb3: {  	[sflag:s29] =	ssyncadd.s32 $0xFFFFFFFF  }
0xb4: {  	_ =	strace $0x90000048  }
0xb5: {  	_ =	sfence  }
0xb6: {  	s30 =	sld [smem:$0x0];
	_ =	sdelay $0x2  }
0xb7: {  	s31 =	sshll.u32 s1, $0xD;
	s1 =	sshrl.u32 s1, $0x2  }
0xb8: {  	s3 =	sand.u32 $0x4000, s31;
	s1 =	sadd.s32 s1, s30  }
0xb9: {  	s0 =	sor.u32 s3, s0;
	s1 =	sshll.u32 s1, $0x11  }
0xba: {  	s0 =	sor.u32 s1, s0  }
0xbb: {  	s0 =	sadd.s32 $0x8F2B, s0  }
0xbc: {  	[sflag:s0] =	ssyncadd.remote.s32 $0x1  }
0xbd: {  	_ =	sfence.sel $0xFFFF  }
0xbe: {  	[dreg:$0x0] =	wrdreg $0xFFFFFFFF;
	(pc) =	sbr.abs _section_cstart, $3  }
0xbf: {  	[dreg:$0x1] =	wrdreg $0xFFFFFFFF  }
0xc0: {  	_ =	task.clear_ibuf [dreg:s6], $0x2FFFF;
	_ =	strace $0x9FFFFFFF  }
0xc1: {  	(tm) =	ssettm $0x7FFFFFFF  }
tec
execute0_lowered:
.L_overlay_start_1:
0x0: {  	(tag) =	ssettag $0x1  }
0x1: {  	s8 =	rddreg [dreg:$0x0]  }
0x2: {  	s0 =	rddreg [dreg:$0x1];
	_ =	strace $0x80000047;
	s1 =	stileid.u32  }
0x3: {  	s3 =	srdreg.scid;
	s4 =	simm.s32 $0x1;
	s7 =	simm.s32 $0x1  }
0x4: {  	s9 =	simm.s32 $0x1;
	s10 =	simm.s32 $0x3;
	s13 =	simm.s32 $0x0  }
0x5: {  	s12 =	simm.s32 $0x0;
	s5 =	sand.u32 $0x1, s3;
	s6 =	sshll.u32 s1, $0x1  }
0x6: {  	s2 =	sadd.s32 $0x3BC00, s8;
	s3 =	sadd.s32 $0x29600, s8;
	s5 =	sor.u32 s6, s5  }
.Ltmp0:
0x7: {  	[sflag:s4] =	ssyncpa.u1 $0x0;
	p0 =	slt.u32 s5, $0x13;
	(pc) =	sbr.rel .LBB2_1-.Ltmp0, $4  }
0x8: {  	s6 =	simm.s32 $0x2;
	s7 =	simm.s32 @!p0 $0x0;
	p0 =	sne.s32 s5, $0x12  }
0x9: {  	[sflag:s6] =	ssyncpa.u1 $0x0;
	s5 =	smul.u32 $0x2EE0, s5;
	s9 =	simm.s32 @!p0 $0x0  }
0xa: {  	s8 =	sadd.s32 $0x4E2600, s8;
	[sflag:s10] =	ssyncpa.u1 $0x0;
	s7 =	sadd.s32 s9, s7  }
0xb: {  	vm0 =	vmmov $0xffff;
	s10 =	simm.s32 $0x0;
	s11 =	smov.u32 s5;
	s9 =	sadd.s32 $0x1, s7  }
.LBB2_4:
0xc: {  	v2 =	vnsel vm1, $0x0, v2  }
0xd: {  	vm1 =	vgt.s32 v0, $0x0;
	v2 =	vmin.u32 v2, $0x927BF  }
0xe: {  	v0 =	vnsel vm1, $0x0, v0  }
0xf: {  	v0 =	vmin.u32 v0, $0x927BF  }
0x10: {  	[tilespmem:s18], [sflag:$0x1] =	stream.indirect_vreg.gather [hbm4b:s2+s10], $0x1, v1, vm0, $0x4038;
	[tilespmem:$0xBB80] =	vst v63  }
0x11: {  	(ifvalue) =	ssetifvalue $0x7FFFFFFF  }
0x12: {  	[tilespmem:s15], [sflag:$0x1] =	stream.indirect_vreg.gather [hbm4b:s2+s10], $0x1, v2, vm0, $0x4038;
	[tilespmem:$0xBB80] =	vst v63  }
0x13: {  	s29 =	sadd.s32 $0x10, s15;
	(ifvalue) =	ssetifvalue $0x7FFFFFFF  }
0x14: {  	[tilespmem:s29], [sflag:$0x1] =	stream.indirect_vreg.gather [hbm4b:s2+s10], $0x1, v0, vm0, $0x4038;
	[tilespmem:$0xBB80] =	vst v63  }
0x15: {  	_ =	swait.ge [sflag:s4], $0x2EE0  }
0x16: {  	s30 =	sshrl.u32 s13, $0x3;
	[sflag:s4] =	ssyncset.done $0x0  }
0x17: {  	s31 =	sand.u32 $0x7, s13;
	s15 =	sadd.s32 s8, s30;
	[sflag:s4] =	ssyncadd.s32 $0xFFFFD120  }
0x18: {  	[hbm4b:s15+s31] =	stream.linear.scatter [tilespmem:s14], [sflag:$0x3], $0x2EE0, $0x38;
	[tilespmem:$0xBB80] =	vst v63  }
.LBB2_5:
0x19: {  	s15 =	sadd.s32 $0x5DC00, s11  }
0x1a: {  	p1 =	sgt.s32 s15, $0x927BF  }
0x1b: {  	s15 =	smov.u32 @p1 s5;
	p1 =	sne.s32 s12, s9  }
.Ltmp1:
0x1c: {  	p0 =	slt.u32 s12, $0x2;
	(pc) =	sbr.rel @!p1 .LBB2_6-.Ltmp1, $4  }
0x1d: {  	s14 =	simm.s32 @!p0 $0x3  }
0x1e: {  	_ =	swait.ge @!p0 [sflag:s14], $0x2EE0  }
0x1f: {  	s16 =	sadd.s32 $0x1, s12;
	s13 =	smov.u32 s11;
	[sflag:s14] =	ssyncset.done @!p0 $0x0  }
0x20: {  	s12 =	smov.u32 s16;
	s11 =	smov.u32 s15;
	[sflag:s14] =	ssyncadd.s32 @!p0 $0xFFFFD120  }
.LBB2_1:
0x21: {  	p0 =	sge.u32 s12, s7  }
0x22: {  	s14 =	sxor.u32 @!p0 $0x1, s12  }
0x23: {  	s14 =	smul.u32 @!p0 $0xBB80, s14  }
0x24: {  	s31 =	sadd.s32 $0xFFFFFFFF, s12;
	s15 =	sshrl.u32 @!p0 s11, $0x3  }
0x25: {  	s16 =	sand.u32 @!p0 $0x7, s11;
	s15 =	sadd.s32 @!p0 s3, s15;
	s14 =	sshra.s32 @!p0 s14, $0x2  }
0x26: {  	[tilespmem:s14], [sflag:$0x2] =	stream.linear.gather @!p0 [hbm4b:s15+s16], $0x2EE0, $0x38;
	[tilespmem:$0xBB80] =	vst v63  }
0x27: {  	p0 =	sge.u32 s31, s7  }
.Ltmp2:
0x28: {  	_ = 	snop;
	(pc) =	sbr.rel @p0 .LBB2_5-.Ltmp2, $1  }
0x29: {  	_ =	sdelay $0x3  }
0x2a: {  	s14 =	sand.u32 $0x1, s12  }
0x2b: {  	_ =	swait.ge [sflag:s6], $0x2EE0;
	p0 =	seq.s32 s14, $0x1;
	s14 =	simm.s32 $0x2EE0  }
0x2c: {  	[sflag:s6] =	ssyncset.done $0x0;
	s14 =	simm.s32 @!p0 $0x0  }
0x2d: {  	[sflag:s6] =	ssyncadd.s32 $0xFFFFD120;
	(ifvalue) =	ssetifvalue $0x7FFFFFFF;
	v0 =	vld.msk [tilespmem:s14+$0x0 ss:$0x1], $0xffff;
	_ =	sdelay $0x4  }
0x2e: {  	s15 =	sadd.s32 $0x10, s14;
	vm1 =	vgt.s32 v0, $0x0  }
0x2f: {  	v2 =	vld.msk [tilespmem:s15+$0x0 ss:$0x1], $0xffff;
	v1 =	vnsel vm1, $0x0, v0  }
0x30: {  	v1 =	vmin.u32 v1, $0x927BF;
	_ =	sdelay $0x2  }
0x31: {  	s17 =	simm.s32 $0x20;
	s14 =	sadd.s32 $0x5DC0, s14;
	s16 =	sadd.s32 $0x10, s15  }
0x32: {  	s15 =	sadd.s32 $0x10, s14;
	s18 =	smov.u32 s14;
	v0 =	vld.msk [tilespmem:s16+$0x0 ss:$0x1], $0xffff;
	vm1 =	vgt.s32 v2, $0x0;
	(ifvalue) =	ssetifvalue $0x7FFFFFFF  }
.LBB2_3:
0x33: {  	[tilespmem:s18], [sflag:$0x1] =	stream.indirect_vreg.gather [hbm4b:s2+s10], $0x1, v1, vm0, $0x4038;
	[tilespmem:$0xBB80] =	vst v63  }
0x34: {  	s17 =	sadd.s32 $0x10, s17  }
0x35: {  	v2 =	vnsel vm1, $0x0, v2;
	p0 =	slt.u32 s17, $0x2ED0  }
.Ltmp3:
0x36: {  	s18 =	smov.u32 s15;
	v1 =	vmin.u32 v2, $0x927BF;
	(pc) =	sbr.rel @p0 .LBB2_3-.Ltmp3, $3  }
0x37: {  	_ =	sdelay $0x1  }
0x38: {  	s16 =	sadd.s32 $0x10, s16  }
0x39: {  	vm1 =	vgt.s32 v0, $0x0;
	s15 =	sadd.s32 $0x10, s15;
	v2 =	vmov v0;
	(ifvalue) =	ssetifvalue $0x7FFFFFFF;
	v0 =	vld.msk [tilespmem:s16+$0x0 ss:$0x1], $0xffff  }
.Ltmp4:
0x3a: {  	_ = 	snop;
	(pc) =	sbr.rel .LBB2_4-.Ltmp4, $1  }
0x3b: {  	_ =	sdelay $0x3  }
.LBB2_6:
0x3c: {  	_ =	sfence.sel $0x180000  }
0x3d: {  	s2 =	simm.s32 $0x2;
	[bflag:$0x0] =	sbarrier.arrive $0xFFFF  }
0x3e: {  	s30 =	simm.s32 $0x3;
	[sflag:s2] =	ssyncpa.u1 $0x1  }
0x3f: {  	s31 =	simm.s32 $0x1;
	[sflag:s30] =	ssyncpa.u1 $0x1  }
0x40: {  	[sflag:s31] =	ssyncpa.u1 $0x1  }
0x41: {  	p0 =	sne.s32 s1, $0x0;
	_ =	strace $0x90000047  }
0x42: {  	s0 =	sadd.s32 @!p0 $0x100000, s0;
	[bflag:$0x2] =	sbarrier.arrive $0xFFFF  }
0x43: {  	[sflag:s0] =	ssyncadd.tile.s32 @!p0 $0x1;
	_ =	shalt  }
.Lfunc_end2:
_tile_overlayer_lowered:
.L_overlay_start_2:
0x44: {  	(tag) =	ssettag $0x2  }
0x45: {  	s0 =	rddreg [dreg:$0x0];
	s2 =	stileid.u32  }
0x46: {  	s1 =	rddreg [dreg:$0x1];
	p0 =	sne.s32 s2, $0x0  }
0x47: {  	s3 =	rddreg [dreg:$0x2];
	[bflag:$0x3] =	sbarrier.arrive $0xFFFF;
	s2 =	simm.s32 @!p0 $0x1C01  }
0x48: {  	[timem:s3], [sflag:s2] =	dma.local @!p0 [hbm:s0], s1  }
0x49: {  	s0 =	simm.s32 @!p0 $0x1  }
0x4a: {  	_ =	swait.ge @!p0 [sflag:s0], s1  }
0x4b: {  	s1 =	ssub.s32 @!p0 $0x0, s1;
	[sflag:s0] =	ssyncset.done @!p0 $0x0  }
0x4c: {  	[sflag:s0] =	ssyncadd.s32 @!p0 s1  }
0x4d: {  	[bflag:$0x3] =	sbarrier.arrive $0xFFFF  }
0x4e: {  	_ =	shalt  }

// kernel: kernel.8.cloned.1.call-start
scs
__scs_entry_jumppad:
0x0: {  	(pc) =	sbr.rel $0x88, $3  }
0x1: {  	(tag) =	ssettag $0x0;
	lr =	simm.s32 $0x1  }
0x2: {  	[smem:$0x3F89] =	sst lr;
	_ =	strace $0xD0000000  }
0x3: {  	_ = 	snop  }
0x4: {  	_ = 	snop  }
0x5: {  	_ = 	snop  }
0x6: {  	_ = 	snop  }
0x7: {  	_ = 	snop  }
__scs_overlays_trampoline_lowered:
0x8: {  	[smem:$0x3F98] =	sst s0  }
0x9: {  	[smem:$0x3F99] =	sst s1  }
0xa: {  	[smem:$0x3F9A] =	sst s2  }
0xb: {  	[smem:$0x3F9B] =	sst s3  }
0xc: {  	[smem:$0x3F9C] =	sst s4  }
0xd: {  	[smem:$0x3F9D] =	sst s5  }
0xe: {  	[smem:$0x3F9E] =	sst s6  }
0xf: {  	[smem:$0x3F9F] =	sst s7  }
0x10: {  	[smem:$0x3FA0] =	sst s8  }
0x11: {  	[smem:$0x3FA1] =	sst s9;
	s0 =	simm.s32 @!p0 $0x0  }
0x12: {  	s1 =	sld [smem:$0x3F87];
	s0 =	simm.s32 @p0 $0x1  }
0x13: {  	[smem:$0x3FA2] =	sst s0;
	s0 =	simm.s32 @!p1 $0x0  }
0x14: {  	s2 =	sld [smem:$0x3F86];
	s0 =	simm.s32 @p1 $0x1  }
0x15: {  	[smem:$0x3FA3] =	sst s0;
	s0 =	simm.s32 @!p2 $0x0  }
0x16: {  	s3 =	sld [smem:$0x3FDB];
	s0 =	simm.s32 @p2 $0x1  }
0x17: {  	s4 =	simm.s32 $0x1BF5;
	[smem:$0x3FA5] =	sst s0  }
0x18: {  	s0 =	sld [smem:$0x3F88];
	_ =	swait.ge [sflag:s4], $0x0  }
0x19: {  	s7 =	sld [smem:$0x3F89]  }
0x1a: {  	s8 =	sadd.s32 $0xFFFFE003, lr  }
0x1b: {  	s9 =	sadd.s32 $0xFFFFFEF7, lr;
	s5 =	simm.s32 $0xFFFFFFFF;
	p2 =	slt.u32 s8, $0xFFFFF086  }
0x1c: {  	p1 =	slt.u32 s9, $0xF7A;
	s5 =	simm.s32 @!p2 $0x0  }
0x1d: {  	s5 =	simm.s32 @p1 $0x1;
	p0 =	seq.s32 s7, s2  }
0x1e: {  	s7 =	smul.u32 @!p0 $0xF7A, s2;
	p2 =	seq.s32 @!p0 s5, $0x0  }
0x1f: {  	s9 =	smul.u32 $0xF7A, s1;
	s8 =	simm.s32 @!p0 $0x1BF5;
	p2 =	por !p2, p0  }
0x20: {  	[sflag:s8] =	ssyncset.s32 @!p0 $0xFFFFF086;
	s6 =	sadd.s32 @!p0 s3, s7;
	s7 =	simm.s32 @!p0 $0x108  }
0x21: {  	s3 =	sadd.s32 s3, s9;
	s6 =	sadd.s32 @!p0 $0x88, s6;
	s7 =	simm.s32 @p2 $0x1082  }
0x22: {  	[simem:s7], [sflag:s8] =	dma.local @!p0 [hbm:s6], $0xF7A  }
0x23: {  	s9 =	sor.u32 $0xD0000000, s2;
	s6 =	simm.s32 $0x108;
	_ =	swait.ge @!p0 [sflag:s8], $0x0  }
0x24: {  	s3 =	sadd.s32 $0x88, s3;
	s6 =	simm.s32 @!p1 $0x1082;
	[sflag:s4] =	ssyncset.s32 $0xFFFFF086  }
0x25: {  	[simem:s6], [sflag:s4] =	dma.local [hbm:s3], $0xF7A  }
0x26: {  	[smem:$0x3F89] =	sst s1;
	(tag) =	ssettag s2;
	_ =	strace s9  }
0x27: {  	s1 =	sld [smem:$0x3F99]  }
0x28: {  	s2 =	sld [smem:$0x3F9A]  }
0x29: {  	s4 =	sld [smem:$0x3F9C]  }
0x2a: {  	p0 =	seq.s32 s5, $0x0;
	s5 =	sld [smem:$0x3F9D]  }
0x2b: {  	s6 =	sld [smem:$0x3F9E]  }
0x2c: {  	s7 =	sld [smem:$0x3F9F]  }
0x2d: {  	s3 =	simm.s32 $0x108;
	s8 =	sld [smem:$0x3FA0]  }
0x2e: {  	s3 =	simm.s32 @!p0 $0x1082;
	s9 =	sld [smem:$0x3FA1]  }
0x2f: {  	lr =	sadd.s32 s0, s3;
	s0 =	sld [smem:$0x3F98]  }
0x30: {  	s3 =	sld [smem:$0x3F9B]  }
0x31: {  	[smem:$0x3FA4] =	sst s10  }
0x32: {  	s10 =	sld [smem:$0x3FA2];
	_ =	sdelay $0x3  }
0x33: {  	p0 =	seq.s32 s10, $0x1;
	s10 =	sld [smem:$0x3FA4];
	_ =	sdelay $0x3  }
0x34: {  	[smem:$0x3FA4] =	sst s10  }
0x35: {  	s10 =	sld [smem:$0x3FA3];
	_ =	sdelay $0x3  }
0x36: {  	p1 =	seq.s32 s10, $0x1;
	s10 =	sld [smem:$0x3FA4];
	_ =	sdelay $0x3  }
0x37: {  	[smem:$0x3FA4] =	sst s10  }
0x38: {  	s10 =	sld [smem:$0x3FA5]  }
0x39: {  	_ = 	snop;
	(pc) =	sbr.ind lr, $3  }
0x3a: {  	_ = 	snop  }
0x3b: {  	_ = 	snop  }
0x3c: {  	p2 =	seq.s32 s10, $0x1;
	s10 =	sld [smem:$0x3FA4]  }
0x3d: {  	_ =	shalt  }
0x3e: {  	_ =	shalt  }
0x3f: {  	_ =	shalt  }
0x40: {  	_ =	shalt  }
0x41: {  	_ =	shalt  }
0x42: {  	_ =	shalt  }
0x43: {  	_ =	shalt  }
0x44: {  	_ =	shalt  }
0x45: {  	_ =	shalt  }
0x46: {  	_ =	shalt  }
0x47: {  	_ =	shalt  }
0x48: {  	_ =	shalt  }
0x49: {  	_ =	shalt  }
0x4a: {  	_ =	shalt  }
0x4b: {  	_ =	shalt  }
0x4c: {  	_ =	shalt  }
0x4d: {  	_ =	shalt  }
0x4e: {  	_ =	shalt  }
0x4f: {  	_ =	shalt  }
0x50: {  	_ =	shalt  }
0x51: {  	_ =	shalt  }
0x52: {  	_ =	shalt  }
0x53: {  	_ =	shalt  }
0x54: {  	_ =	shalt  }
0x55: {  	_ =	shalt  }
0x56: {  	_ =	shalt  }
0x57: {  	_ =	shalt  }
0x58: {  	_ =	shalt  }
0x59: {  	_ =	shalt  }
0x5a: {  	_ =	shalt  }
0x5b: {  	_ =	shalt  }
0x5c: {  	_ =	shalt  }
0x5d: {  	_ =	shalt  }
0x5e: {  	_ =	shalt  }
0x5f: {  	_ =	shalt  }
0x60: {  	_ =	shalt  }
0x61: {  	_ =	shalt  }
0x62: {  	_ =	shalt  }
0x63: {  	_ =	shalt  }
0x64: {  	_ =	shalt  }
0x65: {  	_ =	shalt  }
0x66: {  	_ =	shalt  }
0x67: {  	_ =	shalt  }
0x68: {  	_ =	shalt  }
0x69: {  	_ =	shalt  }
0x6a: {  	_ =	shalt  }
0x6b: {  	_ =	shalt  }
0x6c: {  	_ =	shalt  }
0x6d: {  	_ =	shalt  }
0x6e: {  	_ =	shalt  }
0x6f: {  	_ =	shalt  }
0x70: {  	_ =	shalt  }
0x71: {  	_ =	shalt  }
0x72: {  	_ =	shalt  }
0x73: {  	_ =	shalt  }
0x74: {  	_ =	shalt  }
0x75: {  	_ =	shalt  }
0x76: {  	_ =	shalt  }
0x77: {  	_ =	shalt  }
0x78: {  	_ =	shalt  }
0x79: {  	_ =	shalt  }
0x7a: {  	_ =	shalt  }
0x7b: {  	_ =	shalt  }
0x7c: {  	_ =	shalt  }
0x7d: {  	_ =	shalt  }
0x7e: {  	_ =	shalt  }
0x7f: {  	_ =	shalt  }
0x80: {  	_ =	shalt  }
0x81: {  	_ =	shalt  }
0x82: {  	_ =	shalt  }
0x83: {  	_ =	shalt  }
0x84: {  	_ =	shalt  }
0x85: {  	_ =	shalt  }
0x86: {  	_ =	shalt  }
0x87: {  	_ =	shalt  }
.Lfunc_end0:
.L_simem_size_0:
called_computation.2_lowered:
.L_overlay_start_0:
0x88: {  	s2 =	sld [smem:$0x3FD9]  }
0x89: {  	s3 =	sld [smem:$0x3FFE];
	_ =	sdelay $0x1  }
0x8a: {  	s1 =	srdreg.scid  }
0x8b: {  	s0 =	sand.u32 $0x1, s1  }
0x8c: {  	s17 =	sshll.u32 s0, $0xA;
	s2 =	sadd.s32 s3, s2  }
0x8d: {  	s2 =	sadd.s32 s2, s17  }
0x8e: {  	[smem:$0x3FB0] =	sst s2  }
0x8f: {  	_ = 	snop  }
0x90: {  	s18 =	sld [smem:$0x3FD0];
	(tm) =	ssettm $0x1  }
0x91: {  	s19 =	sld [smem:$0x3FFB];
	_ =	sdelay $0x3  }
0x92: {  	_ =	strace s19  }
0x93: {  	s2 =	sld [smem:$0x3FFC];
	_ =	sdelay $0x3  }
0x94: {  	_ =	strace s2  }
0x95: {  	s2 =	sld [smem:$0x3FFD];
	_ =	sdelay $0x3  }
0x96: {  	_ =	strace s2  }
0x97: {  	_ =	strace $0x8FFFFFFF  }
0x98: {  	s20 =	sld [smem:$0x3FDB];
	_ =	sdelay $0x1  }
0x99: {  	s4 =	simm.s32 $_scs_section_size  }
0x9a: {  	s5 =	simm.s32 $_size__tile_overlayer_lowered;
	s6 =	simm.s32 $_tile_overlayer_lowered  }
0x9b: {  	s7 =	simm.s32 $0x1BFF;
	s21 =	sshll.u32 s6, $0x1;
	s4 =	sadd.s32 s4, s20  }
0x9c: {  	s22 =	simm.s32 $0x0;
	s5 =	sshll.u32 s5, $0x1;
	s6 =	sadd.s32 s21, s4  }
0x9d: {  	[timem:s22], [sflag:s7] =	dma.local [hbm:s6], s5  }
0x9e: {  	_ =	swait.ge [sflag:s7], s5  }
0x9f: {  	s5 =	ssub.s32 $0x0, s5;
	[sflag:s7] =	ssyncset.done $0x0  }
0xa0: {  	[sflag:s7] =	ssyncadd.s32 s5;
	_ =	sdelay $0x1  }
0xa1: {  	s23 =	simm.s32 $0x1B8B  }
0xa2: {  	_ =	swait.ge [sflag:s23], $0x1  }
0xa3: {  	[sflag:s23] =	ssyncset.done $0x0  }
0xa4: {  	[sflag:s23] =	ssyncadd.s32 $0xFFFFFFFF  }
0xa5: {  	s5 =	sld [smem:$0x0]  }
0xa6: {  	s6 =	sand.u32 $0xFFFFFFFE, s1  }
0xa7: {  	p0 =	sne.s32 s1, s6  }
0xa8: {  	s6 =	sshll.u32 @p0 s6, $0xE  }
0xa9: {  	s6 =	sadd.s32 @p0 $0x11B8D, s6;
	s7 =	sshll.u32 @p0 s5, $0x11  }
0xaa: {  	s6 =	sor.u32 @p0 s7, s6  }
0xab: {  	[sflag:s6] =	ssyncadd.remote.s32 @p0 $0x1;
	_ =	sdelay $0x1  }
0xac: {  	s6 =	simm.s32 @p0 $0x1B8D  }
0xad: {  	_ =	swait.eq @p0 [sflag:s6], $0x1  }
0xae: {  	[sflag:s6] =	ssyncadd.s32 @p0 $0xFFFFFFFF  }
0xaf: {  	s7 =	sshll.u32 @!p0 s1, $0xE  }
0xb0: {  	s7 =	sor.u32 @!p0 $0x4000, s7;
	s6 =	simm.s32 @!p0 $0x1B8D  }
0xb1: {  	s5 =	sshll.u32 @!p0 s5, $0x11;
	s7 =	sadd.s32 @!p0 $0x11B8D, s7;
	_ =	swait.eq @!p0 [sflag:s6], $0x1  }
0xb2: {  	s5 =	sor.u32 @!p0 s5, s7;
	[sflag:s6] =	ssyncadd.s32 @!p0 $0xFFFFFFFF  }
0xb3: {  	s25 =	simm.s32 $0x1B8E;
	s24 =	sld [smem:$0x3FFE];
	[sflag:s5] =	ssyncadd.remote.s32 @!p0 $0x1  }
0xb4: {  	s26 =	simm.s32 $execute0_lowered;
	[smem:$0x3FD2] =	sst s25  }
0xb5: {  	s6 =	sshll.u32 s26, $0x1;
	_ =	strace $0x8000004C;
	[dreg:$0x1] =	wrdreg $0xFFFFFFFF  }
0xb6: {  	s28 =	simm.s32 $_size_execute0_lowered;
	s4 =	sadd.s32 s4, s6;
	[dreg:$0x0] =	wrdreg $0x0  }
0xb7: {  	s6 =	sshll.u32 s28, $0x1;
	[dreg:$0x2] =	wrdreg s4  }
0xb8: {  	[dreg:$0x3] =	wrdreg s6  }
0xb9: {  	[dreg:$0x4] =	wrdreg $0xC0  }
0xba: {  	_ =	task [dreg:s22], $0x5FFFF  }
0xbb: {  	[dreg:$0x1] =	wrdreg $0xFFFFFFFF  }
0xbc: {  	[dreg:$0x0] =	wrdreg $0x60  }
0xbd: {  	[dreg:$0x2] =	wrdreg s18  }
0xbe: {  	[dreg:$0x3] =	wrdreg s24  }
0xbf: {  	[dreg:$0x4] =	wrdreg $0xA  }
0xc0: {  	_ =	task.clear_ibuf [dreg:s22], $0x5FFFF;
	_ =	strace $0x9000004C  }
0xc1: {  	s29 =	simm.s32 $0xA;
	_ =	strace $0x8000004E  }
0xc2: {  	_ =	swait.ge [sflag:s29], $0x1  }
0xc3: {  	[sflag:s29] =	ssyncadd.s32 $0xFFFFFFFF  }
0xc4: {  	_ =	strace $0x9000004E  }
0xc5: {  	_ =	sfence  }
0xc6: {  	s30 =	sld [smem:$0x0];
	_ =	sdelay $0x2  }
0xc7: {  	s31 =	sshll.u32 s1, $0xD;
	s1 =	sshrl.u32 s1, $0x2  }
0xc8: {  	s4 =	sand.u32 $0x4000, s31;
	s1 =	sadd.s32 s1, s30  }
0xc9: {  	s0 =	sor.u32 s4, s0;
	s1 =	sshll.u32 s1, $0x11  }
0xca: {  	s0 =	sor.u32 s1, s0  }
0xcb: {  	s0 =	sadd.s32 $0x8F2B, s0  }
0xcc: {  	[sflag:s0] =	ssyncadd.remote.s32 $0x1  }
0xcd: {  	_ =	sfence.sel $0xFFFF  }
0xce: {  	[dreg:$0x0] =	wrdreg $0xFFFFFFFF;
	(pc) =	sbr.abs _section_cstart, $3  }
0xcf: {  	[dreg:$0x1] =	wrdreg $0xFFFFFFFF  }
0xd0: {  	_ =	task.clear_ibuf [dreg:s22], $0x2FFFF;
	_ =	strace $0x9FFFFFFF  }
0xd1: {  	(tm) =	ssettm $0x7FFFFFFF  }
tec
execute0_lowered:
.L_overlay_start_1:
0x0: {  	(tag) =	ssettag $0x1  }
0x1: {  	s2 =	rddreg [dreg:$0x0]  }
0x2: {  	s5 =	rddreg [dreg:$0x1]  }
0x3: {  	s0 =	rddreg [dreg:$0x2]  }
0x4: {  	s4 =	srdreg.scid;
	s1 =	stileid.u32  }
0x5: {  	s3 =	simm.s32 $0x0;
	s11 =	simm.s32 $0x4080;
	s12 =	simm.s32 $0x1  }
0x6: {  	s13 =	simm.s32 $0x2;
	s6 =	sand.u32 $0x1, s4;
	s7 =	smul.u32 $0x9300, s1  }
0x7: {  	[smem:$0x7FF] =	sst s3;
	s9 =	smul.u32 $0x93000, s1;
	s4 =	sadd.s32 $0x4F4C00, s5  }
0x8: {  	s14 =	simm.s32 $0x0;
	s8 =	smul.u32 $0x4980, s6;
	_ =	strace $0x8000004D  }
0x9: {  	s10 =	smul.u32 $0x49800, s6;
	s6 =	ssub.s32 $0x2, s6;
	s29 =	sadd.s32 s9, s5  }
0xa: {  	s30 =	sshrl.u32 s6, $0x1;
	s9 =	simm.s32 $0x3;
	s7 =	sadd.s32 s8, s7  }
0xb: {  	s8 =	sadd.s32 s10, s29;
	s6 =	ssub.s32 s6, s30;
	s7 =	sshrl.u32 s7, $0x3  }
0xc: {  	s10 =	simm.s32 $0x80;
	s31 =	sadd.s32 s7, s5;
	s5 =	sadd.s32 $0x67B600, s8  }
0xd: {  	s6 =	smax.u32 s6, $0x1;
	s7 =	sadd.s32 $0xFAB600, s8;
	s8 =	sadd.s32 $0x298400, s31  }
.LBB2_1:
0xe: {  	[tilespmem:s3], [sflag:$0x3] =	stream.linear.gather [hbm4b:s8+s3], $0x80, $0x38;
	[tilespmem:$0x8080] =	vst v63  }
0xf: {  	_ =	swait.ge [sflag:s9], $0x80  }
0x10: {  	[sflag:s9] =	ssyncset.done $0x0  }
0x11: {  	[sflag:s9] =	ssyncadd.s32 $0xFFFFFF80  }
0x12: {  	[tilespmem:s10], [sflag:$0x1] =	stream.indirect.gather [hbm4b:s2+s10], $0x80, s3, s10, $0xb8;
	[tilespmem:$0x8080] =	vst v63  }
0x13: {  	_ = 	snop  }
0x14: {  	[tilespmem:s11], [sflag:$0x2] =	stream.indirect.gather [hbm4b:s4+s10], $0x80, s3, s10, $0xb8;
	[tilespmem:$0x8080] =	vst v63  }
0x15: {  	_ =	swait.ge [sflag:s12], $0x4000  }
0x16: {  	[sflag:s12] =	ssyncset.done $0x0  }
0x17: {  	[sflag:s12] =	ssyncadd.s32 $0xFFFFC000  }
0x18: {  	_ =	swait.ge [sflag:s13], $0x4000  }
0x19: {  	[sflag:s13] =	ssyncset.done $0x0  }
0x1a: {  	s15 =	sadd.s32 $0x0, s5;
	[sflag:s13] =	ssyncadd.s32 $0xFFFFC000  }
0x1b: {  	[hbm4b:s15+s3] =	stream.linear.scatter [tilespmem:s10], [sflag:$0x3], $0x4000, $0x38;
	[tilespmem:$0x8080] =	vst v63  }
0x1c: {  	_ =	swait.ge [sflag:s9], $0x4000  }
0x1d: {  	[sflag:s9] =	ssyncset.done $0x0  }
0x1e: {  	s31 =	sadd.s32 $0x0, s7;
	[sflag:s9] =	ssyncadd.s32 $0xFFFFC000  }
0x1f: {  	[hbm4b:s31+s3] =	stream.linear.scatter [tilespmem:s11], [sflag:$0x3], $0x4000, $0x38;
	[tilespmem:$0x8080] =	vst v63  }
0x20: {  	_ =	swait.ge [sflag:s9], $0x4000  }
0x21: {  	s16 =	smov.u32 s8;
	s15 =	simm.s32 $0x800;
	[sflag:s9] =	ssyncset.done $0x0  }
.LBB2_2:
0x22: {  	p0 =	sne.s32 s15, $0x49000;
	[sflag:s9] =	ssyncadd.s32 $0xFFFFC000;
	s16 =	sadd.s32 $0x10, s16  }
0x23: {  	[tilespmem:s3], [sflag:$0x3] =	stream.linear.gather [hbm4b:s16+s3], $0x80, $0x38;
	[tilespmem:$0x8080] =	vst v63  }
0x24: {  	s17 =	smov.u32 s15;
	s15 =	sadd.s32 $0x800, s15;
	_ =	swait.ge [sflag:s9], $0x80  }
0x25: {  	[sflag:s9] =	ssyncset.done $0x0  }
0x26: {  	[sflag:s9] =	ssyncadd.s32 $0xFFFFFF80  }
0x27: {  	[tilespmem:s10], [sflag:$0x1] =	stream.indirect.gather [hbm4b:s2+s10], $0x80, s3, s10, $0xb8;
	[tilespmem:$0x8080] =	vst v63  }
0x28: {  	_ = 	snop  }
0x29: {  	[tilespmem:s11], [sflag:$0x2] =	stream.indirect.gather [hbm4b:s4+s10], $0x80, s3, s10, $0xb8;
	[tilespmem:$0x8080] =	vst v63  }
0x2a: {  	_ =	swait.ge [sflag:s12], $0x4000  }
0x2b: {  	[sflag:s12] =	ssyncset.done $0x0  }
0x2c: {  	[sflag:s12] =	ssyncadd.s32 $0xFFFFC000  }
0x2d: {  	_ =	swait.ge [sflag:s13], $0x4000  }
0x2e: {  	[sflag:s13] =	ssyncset.done $0x0  }
0x2f: {  	s18 =	sadd.s32 s17, s5;
	[sflag:s13] =	ssyncadd.s32 $0xFFFFC000  }
0x30: {  	[hbm4b:s18+s3] =	stream.linear.scatter [tilespmem:s10], [sflag:$0x3], $0x4000, $0x38;
	[tilespmem:$0x8080] =	vst v63  }
0x31: {  	_ =	swait.ge [sflag:s9], $0x4000  }
.Ltmp0:
0x32: {  	[sflag:s9] =	ssyncset.done $0x0;
	(pc) =	sbr.rel @p0 .LBB2_2-.Ltmp0, $4  }
0x33: {  	s17 =	sadd.s32 s17, s7;
	[sflag:s9] =	ssyncadd.s32 $0xFFFFC000  }
0x34: {  	[hbm4b:s17+s3] =	stream.linear.scatter [tilespmem:s11], [sflag:$0x3], $0x4000, $0x38;
	[tilespmem:$0x8080] =	vst v63  }
0x35: {  	_ =	swait.ge [sflag:s9], $0x4000  }
0x36: {  	[sflag:s9] =	ssyncset.done $0x0  }
0x37: {  	s14 =	sadd.s32 $0x1, s14  }
0x38: {  	p0 =	sne.s32 s14, s6  }
.Ltmp1:
0x39: {  	_ = 	snop;
	(pc) =	sbr.rel @p0 .LBB2_1-.Ltmp1, $2  }
0x3a: {  	_ =	sdelay $0x2  }
0x3b: {  	[sflag:s9] =	ssyncadd.s32 $0xFFFFC000  }
0x3c: {  	_ =	sfence.sel $0x180000  }
0x3d: {  	[bflag:$0x0] =	sbarrier.arrive $0xFFFF  }
0x3e: {  	p0 =	sne.s32 s1, $0x0;
	_ =	strace $0x9000004D  }
0x3f: {  	s0 =	sadd.s32 @!p0 $0x100000, s0;
	[bflag:$0x2] =	sbarrier.arrive $0xFFFF  }
0x40: {  	[sflag:s0] =	ssyncadd.tile.s32 @!p0 $0x1;
	_ =	shalt  }
.Lfunc_end2:
_tile_overlayer_lowered:
.L_overlay_start_2:
0x41: {  	(tag) =	ssettag $0x2  }
0x42: {  	s0 =	rddreg [dreg:$0x0];
	s2 =	stileid.u32  }
0x43: {  	s1 =	rddreg [dreg:$0x1];
	p0 =	sne.s32 s2, $0x0  }
0x44: {  	s3 =	rddreg [dreg:$0x2];
	[bflag:$0x3] =	sbarrier.arrive $0xFFFF;
	s2 =	simm.s32 @!p0 $0x1C03  }
0x45: {  	[timem:s3], [sflag:s2] =	dma.local @!p0 [hbm:s0], s1  }
0x46: {  	s0 =	simm.s32 @!p0 $0x3  }
0x47: {  	_ =	swait.ge @!p0 [sflag:s0], s1  }
0x48: {  	s1 =	ssub.s32 @!p0 $0x0, s1;
	[sflag:s0] =	ssyncset.done @!p0 $0x0  }
0x49: {  	[sflag:s0] =	ssyncadd.s32 @!p0 s1  }
0x4a: {  	[bflag:$0x3] =	sbarrier.arrive $0xFFFF  }
0x4b: {  	_ =	shalt  }

</sc_bundles>
